<compile_context>
chip_gen: v7x
topology: tpu7x:2x2x1
jax: 0.10.2.dev20260603
libtpu: 0.0.44.dev20260713+nightly
codegen_flags: <defaults>
</compile_context>

<pallas_src>
import functools

import jax
import jax.numpy as jnp
from jax import lax
from jax.experimental import pallas as pl
from jax.experimental.pallas import tpu as pltpu
from jax.experimental.pallas import tpu_sc as plsc

_NC = 2
_NS = 16
_L = 16


@functools.cache
def _build_sc_kernel(B, IN, O, QN):
    NW = _NC * _NS
    R = B // NW
    NQ = O // QN
    NCH = QN // _L

    mesh = plsc.VectorSubcoreMesh(core_axis_name="c", subcore_axis_name="s")

    @functools.partial(
        pl.kernel,
        out_type=jax.ShapeDtypeStruct((B, O), jnp.float32),
        mesh=mesh,
        compiler_params=pltpu.CompilerParams(needs_layout_passes=False),
        scratch_types=[
            pltpu.VMEM((R, IN), jnp.float32),
            pltpu.VMEM((4, QN), jnp.int32),
            pltpu.VMEM((16, QN), jnp.float32),
            pltpu.VMEM((R, QN), jnp.float32),
        ],
    )
    def sc_kernel(x_hbm, idxt_hbm, lutt_hbm, out_hbm, x_v, idx_v, lut_v, out_v):
        wid = lax.axis_index("s") * _NC + lax.axis_index("c")
        b0 = wid * R
        pltpu.sync_copy(x_hbm.at[pl.ds(b0, R)], x_v)

        for q in range(NQ):
            pltpu.sync_copy(idxt_hbm.at[:, pl.ds(q * QN, QN)], idx_v)
            pltpu.sync_copy(lutt_hbm.at[:, pl.ds(q * QN, QN)], lut_v)

            def chunk_body(c, _):
                o0 = c * _L
                i0 = idx_v[0, pl.ds(o0, _L)]
                i1 = idx_v[1, pl.ds(o0, _L)]
                i2 = idx_v[2, pl.ds(o0, _L)]
                i3 = idx_v[3, pl.ds(o0, _L)]
                lv = [lut_v[k, pl.ds(o0, _L)] for k in range(16)]

                def batch_body(b, _):
                    bvec = jnp.full((_L,), b, dtype=jnp.int32)
                    s0 = plsc.load_gather(x_v, [bvec, i0])
                    s1 = plsc.load_gather(x_v, [bvec, i1])
                    s2 = plsc.load_gather(x_v, [bvec, i2])
                    s3 = plsc.load_gather(x_v, [bvec, i3])
                    t3 = s0 * s1
                    t1 = s0 - t3
                    t2 = s1 - t3
                    t0 = (1.0 - s0) - t2
                    u3 = s2 * s3
                    u1 = s2 - u3
                    u2 = s3 - u3
                    u0 = (1.0 - s2) - u2
                    v0 = lv[0] * t0 + lv[1] * t1 + lv[2] * t2 + lv[3] * t3
                    v1 = lv[4] * t0 + lv[5] * t1 + lv[6] * t2 + lv[7] * t3
                    v2 = lv[8] * t0 + lv[9] * t1 + lv[10] * t2 + lv[11] * t3
                    v3 = lv[12] * t0 + lv[13] * t1 + lv[14] * t2 + lv[15] * t3
                    out_v[b, pl.ds(o0, _L)] = u0 * v0 + u1 * v1 + u2 * v2 + u3 * v3
                    return 0

                lax.fori_loop(0, R, batch_body, 0)
                return 0

            lax.fori_loop(0, NCH, chunk_body, 0)
            pltpu.sync_copy(out_v, out_hbm.at[pl.ds(b0, R), pl.ds(q * QN, QN)])

    return sc_kernel


def kernel(x, mapping_indices, lut):
    B, IN = x.shape
    O, n = mapping_indices.shape
    assert n == 4 and lut.shape == (O, 16)
    idxt = mapping_indices.T.astype(jnp.int32)
    lutt = lut.astype(jnp.float32).T
    return _build_sc_kernel(B, IN, O, 512)(x.astype(jnp.float32), idxt, lutt)

# --- scband reference (transcript-rebuilt; emitter-appended) ---
"""Pipeline reference for scband-ltnfeed-forward-layer-29678224015512 (READ-ONLY COPY).

The authoritative reference and input builder live on the scoring server;
editing this copy changes nothing except your own understanding.
"""

import jax, jax.numpy as jnp
import numpy as np

IN_FEATURES = 1024
OUT_FEATURES = 2048
N = 4
BATCH = 1024


def setup_inputs(seed: int = 0) -> dict:
    key = jax.random.key(seed)
    k1, k2, k3 = jax.random.split(key, 3)
    # x in [0,1): LUT nodes treat inputs as soft-binary probabilities
    x = jax.random.uniform(k1, (BATCH, IN_FEATURES), dtype=jnp.float32)
    # fixed (non-learnable) random input mapping: out_features nodes, each wired to n inputs
    mapping_indices = jax.random.randint(k2, (OUT_FEATURES, N), 0, IN_FEATURES)
    # learnable LUT table of BatchedLUTNodes: one 2^n-entry LUT per output node
    lut = jax.random.normal(k3, (OUT_FEATURES, 2 ** N), dtype=jnp.float32)
    return {"x": x, "mapping_indices": mapping_indices, "lut": lut}


def reference(x, mapping_indices, lut):
    B = x.shape[0]
    O, n = mapping_indices.shape
    K = 2 ** n
    # _select_inputs_fixed: gather -> [B, O, n]
    selected = jnp.take(x, mapping_indices.reshape(-1), axis=1).reshape(B, O, n)
    # BatchedLUTNodes: differentiable LUT evaluation.
    # Enumerate all 2^n binary addresses; weight each LUT entry by the
    # product of Bernoulli probabilities of its address bits.
    bits = ((jnp.arange(K)[:, None] >> jnp.arange(n)[None, :]) & 1).astype(jnp.float32)  # [K, n]
    probs = jnp.ones((B, O, K), dtype=x.dtype)
    for i in range(n):
        si = selected[:, :, i][:, :, None]  # [B, O, 1]
        bi = bits[:, i][None, None, :]      # [1, 1, K]
        probs = probs * (si * bi + (1.0 - si) * (1.0 - bi))
    # expected LUT output per node
    out = jnp.sum(probs * lut[None, :, :], axis=-1)  # [B, O]
    return out

if __name__ == "__main__":
    import jax
    _d = setup_inputs()
    print(jax.jit(kernel)(*tuple(_d.values())))

</pallas_src>

<mosaic_0001>
#map = affine_map<(d0, d1) -> (0, 0)>
module attributes {stable_mosaic.version = 14 : i64} {
  func.func @sc_kernel(%arg0: i32, %arg1: i32, %arg2: memref<1024x1024xf32, #tpu.memory_space<hbm>>, %arg3: memref<4x2048xi32, #tpu.memory_space<hbm>>, %arg4: memref<16x2048xf32, #tpu.memory_space<hbm>>, %arg5: memref<1024x2048xf32, #tpu.memory_space<hbm>>, %arg6: memref<32x1024xf32, #tpu.memory_space<vmem>>, %arg7: memref<4x512xi32, #tpu.memory_space<vmem>>, %arg8: memref<16x512xf32, #tpu.memory_space<vmem>>, %arg9: memref<32x512xf32, #tpu.memory_space<vmem>>) attributes {dimension_semantics = [#tpu.dimension_semantics<core_parallel>, #tpu.dimension_semantics<subcore_parallel>], iteration_bounds = array<i64: 2, 16>, scalar_prefetch = 0 : i64, scratch_operands = 4 : i64, tpu.core_type = #tpu.core_type<sc_vector_subcore>, window_params = [{transform_indices = #map}, {transform_indices = #map}, {transform_indices = #map}, {transform_indices = #map}]} {
    %mul3A = arith.constant 2 : i32
    %mul3A_0 = arith.muli %arg1, %mul3A : i32
    %add3A = arith.addi %mul3A_0, %arg0 : i32
    %mul3A_1 = arith.constant 32 : i32
    %mul3A_2 = arith.muli %add3A, %mul3A_1 : i32
    "tpu.region"() ({
      %run_scoped3A = tpu.sem_alloc : memref<!tpu.dma_semaphore, #tpu.memory_space<semaphore_mem>>
      %dma_start3A = arith.constant 0 : i32
      %dma_start3A_30 = tpu.memref_slice %arg2[%mul3A_2, %dma_start3A] : memref<1024x1024xf32, #tpu.memory_space<hbm>> -> memref<32x1024xf32, #tpu.memory_space<hbm>>
      %dma_start3A_31 = arith.constant 0 : i32
      %dma_start3A_32 = tpu.memref_slice %arg2[%mul3A_2, %dma_start3A_31] : memref<1024x1024xf32, #tpu.memory_space<hbm>> -> memref<32x1024xf32, #tpu.memory_space<hbm>>
      tpu.enqueue_dma source(%dma_start3A_32 : memref<32x1024xf32, #tpu.memory_space<hbm>>) target(%arg6 : memref<32x1024xf32, #tpu.memory_space<vmem>>) target_semaphore(%run_scoped3A : memref<!tpu.dma_semaphore, #tpu.memory_space<semaphore_mem>>)
      %dma_wait3A = arith.constant 0 : i32
      %dma_wait3A_33 = tpu.memref_slice %arg2[%mul3A_2, %dma_wait3A] : memref<1024x1024xf32, #tpu.memory_space<hbm>> -> memref<32x1024xf32, #tpu.memory_space<hbm>>
      %dma_wait3A_34 = arith.constant 0 : i32
      %dma_wait3A_35 = tpu.memref_slice %arg2[%mul3A_2, %dma_wait3A_34] : memref<1024x1024xf32, #tpu.memory_space<hbm>> -> memref<32x1024xf32, #tpu.memory_space<hbm>>
      tpu.wait_dma2 semaphore(%run_scoped3A : memref<!tpu.dma_semaphore, #tpu.memory_space<semaphore_mem>>) src(%dma_wait3A_35 : memref<32x1024xf32, #tpu.memory_space<hbm>>) dst(%arg6 : memref<32x1024xf32, #tpu.memory_space<vmem>>)
      tpu.yield
    }) : () -> ()
    "tpu.region"() ({
      %run_scoped3A = tpu.sem_alloc : memref<!tpu.dma_semaphore, #tpu.memory_space<semaphore_mem>>
      %dma_start3A = arith.constant 0 : i32
      %dma_start3A_30 = arith.constant 0 : i32
      %dma_start3A_31 = tpu.memref_slice %arg3[%dma_start3A, %dma_start3A_30] : memref<4x2048xi32, #tpu.memory_space<hbm>> -> memref<4x512xi32, #tpu.memory_space<hbm>>
      %dma_start3A_32 = arith.constant 0 : i32
      %dma_start3A_33 = arith.constant 0 : i32
      %dma_start3A_34 = tpu.memref_slice %arg3[%dma_start3A_32, %dma_start3A_33] : memref<4x2048xi32, #tpu.memory_space<hbm>> -> memref<4x512xi32, #tpu.memory_space<hbm>>
      tpu.enqueue_dma source(%dma_start3A_34 : memref<4x512xi32, #tpu.memory_space<hbm>>) target(%arg7 : memref<4x512xi32, #tpu.memory_space<vmem>>) target_semaphore(%run_scoped3A : memref<!tpu.dma_semaphore, #tpu.memory_space<semaphore_mem>>)
      %dma_wait3A = arith.constant 0 : i32
      %dma_wait3A_35 = arith.constant 0 : i32
      %dma_wait3A_36 = tpu.memref_slice %arg3[%dma_wait3A, %dma_wait3A_35] : memref<4x2048xi32, #tpu.memory_space<hbm>> -> memref<4x512xi32, #tpu.memory_space<hbm>>
      %dma_wait3A_37 = arith.constant 0 : i32
      %dma_wait3A_38 = arith.constant 0 : i32
      %dma_wait3A_39 = tpu.memref_slice %arg3[%dma_wait3A_37, %dma_wait3A_38] : memref<4x2048xi32, #tpu.memory_space<hbm>> -> memref<4x512xi32, #tpu.memory_space<hbm>>
      tpu.wait_dma2 semaphore(%run_scoped3A : memref<!tpu.dma_semaphore, #tpu.memory_space<semaphore_mem>>) src(%dma_wait3A_39 : memref<4x512xi32, #tpu.memory_space<hbm>>) dst(%arg7 : memref<4x512xi32, #tpu.memory_space<vmem>>)
      tpu.yield
    }) : () -> ()
    "tpu.region"() ({
      %run_scoped3A = tpu.sem_alloc : memref<!tpu.dma_semaphore, #tpu.memory_space<semaphore_mem>>
      %dma_start3A = arith.constant 0 : i32
      %dma_start3A_30 = arith.constant 0 : i32
      %dma_start3A_31 = tpu.memref_slice %arg4[%dma_start3A, %dma_start3A_30] : memref<16x2048xf32, #tpu.memory_space<hbm>> -> memref<16x512xf32, #tpu.memory_space<hbm>>
      %dma_start3A_32 = arith.constant 0 : i32
      %dma_start3A_33 = arith.constant 0 : i32
      %dma_start3A_34 = tpu.memref_slice %arg4[%dma_start3A_32, %dma_start3A_33] : memref<16x2048xf32, #tpu.memory_space<hbm>> -> memref<16x512xf32, #tpu.memory_space<hbm>>
      tpu.enqueue_dma source(%dma_start3A_34 : memref<16x512xf32, #tpu.memory_space<hbm>>) target(%arg8 : memref<16x512xf32, #tpu.memory_space<vmem>>) target_semaphore(%run_scoped3A : memref<!tpu.dma_semaphore, #tpu.memory_space<semaphore_mem>>)
      %dma_wait3A = arith.constant 0 : i32
      %dma_wait3A_35 = arith.constant 0 : i32
      %dma_wait3A_36 = tpu.memref_slice %arg4[%dma_wait3A, %dma_wait3A_35] : memref<16x2048xf32, #tpu.memory_space<hbm>> -> memref<16x512xf32, #tpu.memory_space<hbm>>
      %dma_wait3A_37 = arith.constant 0 : i32
      %dma_wait3A_38 = arith.constant 0 : i32
      %dma_wait3A_39 = tpu.memref_slice %arg4[%dma_wait3A_37, %dma_wait3A_38] : memref<16x2048xf32, #tpu.memory_space<hbm>> -> memref<16x512xf32, #tpu.memory_space<hbm>>
      tpu.wait_dma2 semaphore(%run_scoped3A : memref<!tpu.dma_semaphore, #tpu.memory_space<semaphore_mem>>) src(%dma_wait3A_39 : memref<16x512xf32, #tpu.memory_space<hbm>>) dst(%arg8 : memref<16x512xf32, #tpu.memory_space<vmem>>)
      tpu.yield
    }) : () -> ()
    %scan3A = arith.constant 0 : i32
    %scan3A_3 = arith.constant 0 : i32
    %scan3A_4 = arith.constant 32 : i32
    %scan3A_5 = arith.addi %scan3A_3, %scan3A_4 : i32
    %scan3A_6 = arith.constant 1 : i32
    %scan3A_7 = scf.for %scan3A_30 = %scan3A_3 to %scan3A_5 step %scan3A_6 iter_args(%scan3A_31 = %scan3A) -> (i32)  : i32 {
      %mul3A_32 = arith.constant 16 : i32
      %mul3A_33 = arith.muli %scan3A_30, %mul3A_32 : i32
      %get3A = arith.constant 0 : i32
      %get3A_34 = arith.index_cast %get3A : i32 to index
      %get3A_35 = arith.index_cast %mul3A_33 : i32 to index
      %get3A_36 = tpu.vector_load %arg7[%get3A_34, %get3A_35] {strides = array<i32>} : memref<4x512xi32, #tpu.memory_space<vmem>>, vector<16xi32>,
      %get3A_37 = arith.constant 1 : i32
      %get3A_38 = arith.index_cast %get3A_37 : i32 to index
      %get3A_39 = arith.index_cast %mul3A_33 : i32 to index
      %get3A_40 = tpu.vector_load %arg7[%get3A_38, %get3A_39] {strides = array<i32>} : memref<4x512xi32, #tpu.memory_space<vmem>>, vector<16xi32>,
      %get3A_41 = arith.constant 2 : i32
      %get3A_42 = arith.index_cast %get3A_41 : i32 to index
      %get3A_43 = arith.index_cast %mul3A_33 : i32 to index
      %get3A_44 = tpu.vector_load %arg7[%get3A_42, %get3A_43] {strides = array<i32>} : memref<4x512xi32, #tpu.memory_space<vmem>>, vector<16xi32>,
      %get3A_45 = arith.constant 3 : i32
      %get3A_46 = arith.index_cast %get3A_45 : i32 to index
      %get3A_47 = arith.index_cast %mul3A_33 : i32 to index
      %get3A_48 = tpu.vector_load %arg7[%get3A_46, %get3A_47] {strides = array<i32>} : memref<4x512xi32, #tpu.memory_space<vmem>>, vector<16xi32>,
      %get3A_49 = arith.constant 0 : i32
      %get3A_50 = arith.index_cast %get3A_49 : i32 to index
      %get3A_51 = arith.index_cast %mul3A_33 : i32 to index
      %get3A_52 = tpu.vector_load %arg8[%get3A_50, %get3A_51] {strides = array<i32>} : memref<16x512xf32, #tpu.memory_space<vmem>>, vector<16xf32>,
      %get3A_53 = arith.constant 1 : i32
      %get3A_54 = arith.index_cast %get3A_53 : i32 to index
      %get3A_55 = arith.index_cast %mul3A_33 : i32 to index
      %get3A_56 = tpu.vector_load %arg8[%get3A_54, %get3A_55] {strides = array<i32>} : memref<16x512xf32, #tpu.memory_space<vmem>>, vector<16xf32>,
      %get3A_57 = arith.constant 2 : i32
      %get3A_58 = arith.index_cast %get3A_57 : i32 to index
      %get3A_59 = arith.index_cast %mul3A_33 : i32 to index
      %get3A_60 = tpu.vector_load %arg8[%get3A_58, %get3A_59] {strides = array<i32>} : memref<16x512xf32, #tpu.memory_space<vmem>>, vector<16xf32>,
      %get3A_61 = arith.constant 3 : i32
      %get3A_62 = arith.index_cast %get3A_61 : i32 to index
      %get3A_63 = arith.index_cast %mul3A_33 : i32 to index
      %get3A_64 = tpu.vector_load %arg8[%get3A_62, %get3A_63] {strides = array<i32>} : memref<16x512xf32, #tpu.memory_space<vmem>>, vector<16xf32>,
      %get3A_65 = arith.constant 4 : i32
      %get3A_66 = arith.index_cast %get3A_65 : i32 to index
      %get3A_67 = arith.index_cast %mul3A_33 : i32 to index
      %get3A_68 = tpu.vector_load %arg8[%get3A_66, %get3A_67] {strides = array<i32>} : memref<16x512xf32, #tpu.memory_space<vmem>>, vector<16xf32>,
      %get3A_69 = arith.constant 5 : i32
      %get3A_70 = arith.index_cast %get3A_69 : i32 to index
      %get3A_71 = arith.index_cast %mul3A_33 : i32 to index
      %get3A_72 = tpu.vector_load %arg8[%get3A_70, %get3A_71] {strides = array<i32>} : memref<16x512xf32, #tpu.memory_space<vmem>>, vector<16xf32>,
      %get3A_73 = arith.constant 6 : i32
      %get3A_74 = arith.index_cast %get3A_73 : i32 to index
      %get3A_75 = arith.index_cast %mul3A_33 : i32 to index
      %get3A_76 = tpu.vector_load %arg8[%get3A_74, %get3A_75] {strides = array<i32>} : memref<16x512xf32, #tpu.memory_space<vmem>>, vector<16xf32>,
      %get3A_77 = arith.constant 7 : i32
      %get3A_78 = arith.index_cast %get3A_77 : i32 to index
      %get3A_79 = arith.index_cast %mul3A_33 : i32 to index
      %get3A_80 = tpu.vector_load %arg8[%get3A_78, %get3A_79] {strides = array<i32>} : memref<16x512xf32, #tpu.memory_space<vmem>>, vector<16xf32>,
      %get3A_81 = arith.constant 8 : i32
      %get3A_82 = arith.index_cast %get3A_81 : i32 to index
      %get3A_83 = arith.index_cast %mul3A_33 : i32 to index
      %get3A_84 = tpu.vector_load %arg8[%get3A_82, %get3A_83] {strides = array<i32>} : memref<16x512xf32, #tpu.memory_space<vmem>>, vector<16xf32>,
      %get3A_85 = arith.constant 9 : i32
      %get3A_86 = arith.index_cast %get3A_85 : i32 to index
      %get3A_87 = arith.index_cast %mul3A_33 : i32 to index
      %get3A_88 = tpu.vector_load %arg8[%get3A_86, %get3A_87] {strides = array<i32>} : memref<16x512xf32, #tpu.memory_space<vmem>>, vector<16xf32>,
      %get3A_89 = arith.constant 10 : i32
      %get3A_90 = arith.index_cast %get3A_89 : i32 to index
      %get3A_91 = arith.index_cast %mul3A_33 : i32 to index
      %get3A_92 = tpu.vector_load %arg8[%get3A_90, %get3A_91] {strides = array<i32>} : memref<16x512xf32, #tpu.memory_space<vmem>>, vector<16xf32>,
      %get3A_93 = arith.constant 11 : i32
      %get3A_94 = arith.index_cast %get3A_93 : i32 to index
      %get3A_95 = arith.index_cast %mul3A_33 : i32 to index
      %get3A_96 = tpu.vector_load %arg8[%get3A_94, %get3A_95] {strides = array<i32>} : memref<16x512xf32, #tpu.memory_space<vmem>>, vector<16xf32>,
      %get3A_97 = arith.constant 12 : i32
      %get3A_98 = arith.index_cast %get3A_97 : i32 to index
      %get3A_99 = arith.index_cast %mul3A_33 : i32 to index
      %get3A_100 = tpu.vector_load %arg8[%get3A_98, %get3A_99] {strides = array<i32>} : memref<16x512xf32, #tpu.memory_space<vmem>>, vector<16xf32>,
      %get3A_101 = arith.constant 13 : i32
      %get3A_102 = arith.index_cast %get3A_101 : i32 to index
      %get3A_103 = arith.index_cast %mul3A_33 : i32 to index
      %get3A_104 = tpu.vector_load %arg8[%get3A_102, %get3A_103] {strides = array<i32>} : memref<16x512xf32, #tpu.memory_space<vmem>>, vector<16xf32>,
      %get3A_105 = arith.constant 14 : i32
      %get3A_106 = arith.index_cast %get3A_105 : i32 to index
      %get3A_107 = arith.index_cast %mul3A_33 : i32 to index
      %get3A_108 = tpu.vector_load %arg8[%get3A_106, %get3A_107] {strides = array<i32>} : memref<16x512xf32, #tpu.memory_space<vmem>>, vector<16xf32>,
      %get3A_109 = arith.constant 15 : i32
      %get3A_110 = arith.index_cast %get3A_109 : i32 to index
      %get3A_111 = arith.index_cast %mul3A_33 : i32 to index
      %get3A_112 = tpu.vector_load %arg8[%get3A_110, %get3A_111] {strides = array<i32>} : memref<16x512xf32, #tpu.memory_space<vmem>>, vector<16xf32>,
      %scan3A_113 = arith.constant 0 : i32
      %scan3A_114 = arith.constant 0 : i32
      %scan3A_115 = arith.constant 32 : i32
      %scan3A_116 = arith.addi %scan3A_114, %scan3A_115 : i32
      %scan3A_117 = arith.constant 1 : i32
      %scan3A_118 = scf.for %scan3A_121 = %scan3A_114 to %scan3A_116 step %scan3A_117 iter_args(%scan3A_122 = %scan3A_113) -> (i32)  : i32 {
        %broadcast_in_dim3A = vector.broadcast %scan3A_121 : i32 to vector<16xi32>
        %gather3A = tpu.vector_load_idx %arg6[%broadcast_in_dim3A, %get3A_36] : memref<32x1024xf32, #tpu.memory_space<vmem>>[vector<16xi32>, vector<16xi32>], vector<16xf32>,
        %gather3A_123 = tpu.vector_load_idx %arg6[%broadcast_in_dim3A, %get3A_40] : memref<32x1024xf32, #tpu.memory_space<vmem>>[vector<16xi32>, vector<16xi32>], vector<16xf32>,
        %gather3A_124 = tpu.vector_load_idx %arg6[%broadcast_in_dim3A, %get3A_44] : memref<32x1024xf32, #tpu.memory_space<vmem>>[vector<16xi32>, vector<16xi32>], vector<16xf32>,
        %gather3A_125 = tpu.vector_load_idx %arg6[%broadcast_in_dim3A, %get3A_48] : memref<32x1024xf32, #tpu.memory_space<vmem>>[vector<16xi32>, vector<16xi32>], vector<16xf32>,
        %mul3A_126 = arith.mulf %gather3A, %gather3A_123 : vector<16xf32>
        %sub3A = arith.subf %gather3A, %mul3A_126 : vector<16xf32>
        %sub3A_127 = arith.subf %gather3A_123, %mul3A_126 : vector<16xf32>
        %sub3A_128 = arith.constant 1.000000e+00 : f32
        %sub3A_129 = vector.broadcast %sub3A_128 : f32 to vector<16xf32>
        %sub3A_130 = arith.subf %sub3A_129, %gather3A : vector<16xf32>
        %sub3A_131 = arith.subf %sub3A_130, %sub3A_127 : vector<16xf32>
        %mul3A_132 = arith.mulf %gather3A_124, %gather3A_125 : vector<16xf32>
        %sub3A_133 = arith.subf %gather3A_124, %mul3A_132 : vector<16xf32>
        %sub3A_134 = arith.subf %gather3A_125, %mul3A_132 : vector<16xf32>
        %sub3A_135 = arith.constant 1.000000e+00 : f32
        %sub3A_136 = vector.broadcast %sub3A_135 : f32 to vector<16xf32>
        %sub3A_137 = arith.subf %sub3A_136, %gather3A_124 : vector<16xf32>
        %sub3A_138 = arith.subf %sub3A_137, %sub3A_134 : vector<16xf32>
        %mul3A_139 = arith.mulf %get3A_52, %sub3A_131 : vector<16xf32>
        %mul3A_140 = arith.mulf %get3A_56, %sub3A : vector<16xf32>
        %add3A_141 = arith.addf %mul3A_139, %mul3A_140 : vector<16xf32>
        %mul3A_142 = arith.mulf %get3A_60, %sub3A_127 : vector<16xf32>
        %add3A_143 = arith.addf %add3A_141, %mul3A_142 : vector<16xf32>
        %mul3A_144 = arith.mulf %get3A_64, %mul3A_126 : vector<16xf32>
        %add3A_145 = arith.addf %add3A_143, %mul3A_144 : vector<16xf32>
        %mul3A_146 = arith.mulf %get3A_68, %sub3A_131 : vector<16xf32>
        %mul3A_147 = arith.mulf %get3A_72, %sub3A : vector<16xf32>
        %add3A_148 = arith.addf %mul3A_146, %mul3A_147 : vector<16xf32>
        %mul3A_149 = arith.mulf %get3A_76, %sub3A_127 : vector<16xf32>
        %add3A_150 = arith.addf %add3A_148, %mul3A_149 : vector<16xf32>
        %mul3A_151 = arith.mulf %get3A_80, %mul3A_126 : vector<16xf32>
        %add3A_152 = arith.addf %add3A_150, %mul3A_151 : vector<16xf32>
        %mul3A_153 = arith.mulf %get3A_84, %sub3A_131 : vector<16xf32>
        %mul3A_154 = arith.mulf %get3A_88, %sub3A : vector<16xf32>
        %add3A_155 = arith.addf %mul3A_153, %mul3A_154 : vector<16xf32>
        %mul3A_156 = arith.mulf %get3A_92, %sub3A_127 : vector<16xf32>
        %add3A_157 = arith.addf %add3A_155, %mul3A_156 : vector<16xf32>
        %mul3A_158 = arith.mulf %get3A_96, %mul3A_126 : vector<16xf32>
        %add3A_159 = arith.addf %add3A_157, %mul3A_158 : vector<16xf32>
        %mul3A_160 = arith.mulf %get3A_100, %sub3A_131 : vector<16xf32>
        %mul3A_161 = arith.mulf %get3A_104, %sub3A : vector<16xf32>
        %add3A_162 = arith.addf %mul3A_160, %mul3A_161 : vector<16xf32>
        %mul3A_163 = arith.mulf %get3A_108, %sub3A_127 : vector<16xf32>
        %add3A_164 = arith.addf %add3A_162, %mul3A_163 : vector<16xf32>
        %mul3A_165 = arith.mulf %get3A_112, %mul3A_126 : vector<16xf32>
        %add3A_166 = arith.addf %add3A_164, %mul3A_165 : vector<16xf32>
        %mul3A_167 = arith.mulf %sub3A_138, %add3A_145 : vector<16xf32>
        %mul3A_168 = arith.mulf %sub3A_133, %add3A_152 : vector<16xf32>
        %add3A_169 = arith.addf %mul3A_167, %mul3A_168 : vector<16xf32>
        %mul3A_170 = arith.mulf %sub3A_134, %add3A_159 : vector<16xf32>
        %add3A_171 = arith.addf %add3A_169, %mul3A_170 : vector<16xf32>
        %mul3A_172 = arith.mulf %mul3A_132, %add3A_166 : vector<16xf32>
        %add3A_173 = arith.addf %add3A_171, %mul3A_172 : vector<16xf32>
        %swap3A = arith.index_cast %scan3A_121 : i32 to index
        %swap3A_174 = arith.index_cast %mul3A_33 : i32 to index
        %swap3A_175 = tpu.vector_load %arg9[%swap3A, %swap3A_174] {strides = array<i32>} : memref<32x512xf32, #tpu.memory_space<vmem>>, vector<16xf32>,
        tpu.vector_store %arg9[%swap3A, %swap3A_174], %add3A_173 {strides = array<i32>} : memref<32x512xf32, #tpu.memory_space<vmem>>, vector<16xf32>,
        %scan3A_176 = arith.constant 0 : i32
        scf.yield %scan3A_176 : i32
      }
      %scan3A_119 = arith.constant 32 : i32
      %scan3A_120 = arith.constant 0 : i32
      scf.yield %scan3A_120 : i32
    }
    %scan3A_8 = arith.constant 32 : i32
    "tpu.region"() ({
      %run_scoped3A = tpu.sem_alloc : memref<!tpu.dma_semaphore, #tpu.memory_space<semaphore_mem>>
      %dma_start3A = arith.constant 0 : i32
      %dma_start3A_30 = tpu.memref_slice %arg5[%mul3A_2, %dma_start3A] : memref<1024x2048xf32, #tpu.memory_space<hbm>> -> memref<32x512xf32, #tpu.memory_space<hbm>>
      %dma_start3A_31 = arith.constant 0 : i32
      %dma_start3A_32 = tpu.memref_slice %arg5[%mul3A_2, %dma_start3A_31] : memref<1024x2048xf32, #tpu.memory_space<hbm>> -> memref<32x512xf32, #tpu.memory_space<hbm>>
      tpu.enqueue_dma source(%arg9 : memref<32x512xf32, #tpu.memory_space<vmem>>) target(%dma_start3A_32 : memref<32x512xf32, #tpu.memory_space<hbm>>) target_semaphore(%run_scoped3A : memref<!tpu.dma_semaphore, #tpu.memory_space<semaphore_mem>>)
      %dma_wait3A = arith.constant 0 : i32
      %dma_wait3A_33 = tpu.memref_slice %arg5[%mul3A_2, %dma_wait3A] : memref<1024x2048xf32, #tpu.memory_space<hbm>> -> memref<32x512xf32, #tpu.memory_space<hbm>>
      %dma_wait3A_34 = arith.constant 0 : i32
      %dma_wait3A_35 = tpu.memref_slice %arg5[%mul3A_2, %dma_wait3A_34] : memref<1024x2048xf32, #tpu.memory_space<hbm>> -> memref<32x512xf32, #tpu.memory_space<hbm>>
      tpu.wait_dma2 semaphore(%run_scoped3A : memref<!tpu.dma_semaphore, #tpu.memory_space<semaphore_mem>>) src(%arg9 : memref<32x512xf32, #tpu.memory_space<vmem>>) dst(%dma_wait3A_35 : memref<32x512xf32, #tpu.memory_space<hbm>>)
      tpu.yield
    }) : () -> ()
    "tpu.region"() ({
      %run_scoped3A = tpu.sem_alloc : memref<!tpu.dma_semaphore, #tpu.memory_space<semaphore_mem>>
      %dma_start3A = arith.constant 0 : i32
      %dma_start3A_30 = arith.constant 512 : i32
      %dma_start3A_31 = tpu.memref_slice %arg3[%dma_start3A, %dma_start3A_30] : memref<4x2048xi32, #tpu.memory_space<hbm>> -> memref<4x512xi32, #tpu.memory_space<hbm>>
      %dma_start3A_32 = arith.constant 0 : i32
      %dma_start3A_33 = arith.constant 512 : i32
      %dma_start3A_34 = tpu.memref_slice %arg3[%dma_start3A_32, %dma_start3A_33] : memref<4x2048xi32, #tpu.memory_space<hbm>> -> memref<4x512xi32, #tpu.memory_space<hbm>>
      tpu.enqueue_dma source(%dma_start3A_34 : memref<4x512xi32, #tpu.memory_space<hbm>>) target(%arg7 : memref<4x512xi32, #tpu.memory_space<vmem>>) target_semaphore(%run_scoped3A : memref<!tpu.dma_semaphore, #tpu.memory_space<semaphore_mem>>)
      %dma_wait3A = arith.constant 0 : i32
      %dma_wait3A_35 = arith.constant 512 : i32
      %dma_wait3A_36 = tpu.memref_slice %arg3[%dma_wait3A, %dma_wait3A_35] : memref<4x2048xi32, #tpu.memory_space<hbm>> -> memref<4x512xi32, #tpu.memory_space<hbm>>
      %dma_wait3A_37 = arith.constant 0 : i32
      %dma_wait3A_38 = arith.constant 512 : i32
      %dma_wait3A_39 = tpu.memref_slice %arg3[%dma_wait3A_37, %dma_wait3A_38] : memref<4x2048xi32, #tpu.memory_space<hbm>> -> memref<4x512xi32, #tpu.memory_space<hbm>>
      tpu.wait_dma2 semaphore(%run_scoped3A : memref<!tpu.dma_semaphore, #tpu.memory_space<semaphore_mem>>) src(%dma_wait3A_39 : memref<4x512xi32, #tpu.memory_space<hbm>>) dst(%arg7 : memref<4x512xi32, #tpu.memory_space<vmem>>)
      tpu.yield
    }) : () -> ()
    "tpu.region"() ({
      %run_scoped3A = tpu.sem_alloc : memref<!tpu.dma_semaphore, #tpu.memory_space<semaphore_mem>>
      %dma_start3A = arith.constant 0 : i32
      %dma_start3A_30 = arith.constant 512 : i32
      %dma_start3A_31 = tpu.memref_slice %arg4[%dma_start3A, %dma_start3A_30] : memref<16x2048xf32, #tpu.memory_space<hbm>> -> memref<16x512xf32, #tpu.memory_space<hbm>>
      %dma_start3A_32 = arith.constant 0 : i32
      %dma_start3A_33 = arith.constant 512 : i32
      %dma_start3A_34 = tpu.memref_slice %arg4[%dma_start3A_32, %dma_start3A_33] : memref<16x2048xf32, #tpu.memory_space<hbm>> -> memref<16x512xf32, #tpu.memory_space<hbm>>
      tpu.enqueue_dma source(%dma_start3A_34 : memref<16x512xf32, #tpu.memory_space<hbm>>) target(%arg8 : memref<16x512xf32, #tpu.memory_space<vmem>>) target_semaphore(%run_scoped3A : memref<!tpu.dma_semaphore, #tpu.memory_space<semaphore_mem>>)
      %dma_wait3A = arith.constant 0 : i32
      %dma_wait3A_35 = arith.constant 512 : i32
      %dma_wait3A_36 = tpu.memref_slice %arg4[%dma_wait3A, %dma_wait3A_35] : memref<16x2048xf32, #tpu.memory_space<hbm>> -> memref<16x512xf32, #tpu.memory_space<hbm>>
      %dma_wait3A_37 = arith.constant 0 : i32
      %dma_wait3A_38 = arith.constant 512 : i32
      %dma_wait3A_39 = tpu.memref_slice %arg4[%dma_wait3A_37, %dma_wait3A_38] : memref<16x2048xf32, #tpu.memory_space<hbm>> -> memref<16x512xf32, #tpu.memory_space<hbm>>
      tpu.wait_dma2 semaphore(%run_scoped3A : memref<!tpu.dma_semaphore, #tpu.memory_space<semaphore_mem>>) src(%dma_wait3A_39 : memref<16x512xf32, #tpu.memory_space<hbm>>) dst(%arg8 : memref<16x512xf32, #tpu.memory_space<vmem>>)
      tpu.yield
    }) : () -> ()
    %scan3A_9 = arith.constant 0 : i32
    %scan3A_10 = arith.constant 0 : i32
    %scan3A_11 = arith.constant 32 : i32
    %scan3A_12 = arith.addi %scan3A_10, %scan3A_11 : i32
    %scan3A_13 = arith.constant 1 : i32
    %scan3A_14 = scf.for %scan3A_30 = %scan3A_10 to %scan3A_12 step %scan3A_13 iter_args(%scan3A_31 = %scan3A_9) -> (i32)  : i32 {
      %mul3A_32 = arith.constant 16 : i32
      %mul3A_33 = arith.muli %scan3A_30, %mul3A_32 : i32
      %get3A = arith.constant 0 : i32
      %get3A_34 = arith.index_cast %get3A : i32 to index
      %get3A_35 = arith.index_cast %mul3A_33 : i32 to index
      %get3A_36 = tpu.vector_load %arg7[%get3A_34, %get3A_35] {strides = array<i32>} : memref<4x512xi32, #tpu.memory_space<vmem>>, vector<16xi32>,
      %get3A_37 = arith.constant 1 : i32
      %get3A_38 = arith.index_cast %get3A_37 : i32 to index
      %get3A_39 = arith.index_cast %mul3A_33 : i32 to index
      %get3A_40 = tpu.vector_load %arg7[%get3A_38, %get3A_39] {strides = array<i32>} : memref<4x512xi32, #tpu.memory_space<vmem>>, vector<16xi32>,
      %get3A_41 = arith.constant 2 : i32
      %get3A_42 = arith.index_cast %get3A_41 : i32 to index
      %get3A_43 = arith.index_cast %mul3A_33 : i32 to index
      %get3A_44 = tpu.vector_load %arg7[%get3A_42, %get3A_43] {strides = array<i32>} : memref<4x512xi32, #tpu.memory_space<vmem>>, vector<16xi32>,
      %get3A_45 = arith.constant 3 : i32
      %get3A_46 = arith.index_cast %get3A_45 : i32 to index
      %get3A_47 = arith.index_cast %mul3A_33 : i32 to index
      %get3A_48 = tpu.vector_load %arg7[%get3A_46, %get3A_47] {strides = array<i32>} : memref<4x512xi32, #tpu.memory_space<vmem>>, vector<16xi32>,
      %get3A_49 = arith.constant 0 : i32
      %get3A_50 = arith.index_cast %get3A_49 : i32 to index
      %get3A_51 = arith.index_cast %mul3A_33 : i32 to index
      %get3A_52 = tpu.vector_load %arg8[%get3A_50, %get3A_51] {strides = array<i32>} : memref<16x512xf32, #tpu.memory_space<vmem>>, vector<16xf32>,
      %get3A_53 = arith.constant 1 : i32
      %get3A_54 = arith.index_cast %get3A_53 : i32 to index
      %get3A_55 = arith.index_cast %mul3A_33 : i32 to index
      %get3A_56 = tpu.vector_load %arg8[%get3A_54, %get3A_55] {strides = array<i32>} : memref<16x512xf32, #tpu.memory_space<vmem>>, vector<16xf32>,
      %get3A_57 = arith.constant 2 : i32
      %get3A_58 = arith.index_cast %get3A_57 : i32 to index
      %get3A_59 = arith.index_cast %mul3A_33 : i32 to index
      %get3A_60 = tpu.vector_load %arg8[%get3A_58, %get3A_59] {strides = array<i32>} : memref<16x512xf32, #tpu.memory_space<vmem>>, vector<16xf32>,
      %get3A_61 = arith.constant 3 : i32
      %get3A_62 = arith.index_cast %get3A_61 : i32 to index
      %get3A_63 = arith.index_cast %mul3A_33 : i32 to index
      %get3A_64 = tpu.vector_load %arg8[%get3A_62, %get3A_63] {strides = array<i32>} : memref<16x512xf32, #tpu.memory_space<vmem>>, vector<16xf32>,
      %get3A_65 = arith.constant 4 : i32
      %get3A_66 = arith.index_cast %get3A_65 : i32 to index
      %get3A_67 = arith.index_cast %mul3A_33 : i32 to index
      %get3A_68 = tpu.vector_load %arg8[%get3A_66, %get3A_67] {strides = array<i32>} : memref<16x512xf32, #tpu.memory_space<vmem>>, vector<16xf32>,
      %get3A_69 = arith.constant 5 : i32
      %get3A_70 = arith.index_cast %get3A_69 : i32 to index
      %get3A_71 = arith.index_cast %mul3A_33 : i32 to index
      %get3A_72 = tpu.vector_load %arg8[%get3A_70, %get3A_71] {strides = array<i32>} : memref<16x512xf32, #tpu.memory_space<vmem>>, vector<16xf32>,
      %get3A_73 = arith.constant 6 : i32
      %get3A_74 = arith.index_cast %get3A_73 : i32 to index
      %get3A_75 = arith.index_cast %mul3A_33 : i32 to index
      %get3A_76 = tpu.vector_load %arg8[%get3A_74, %get3A_75] {strides = array<i32>} : memref<16x512xf32, #tpu.memory_space<vmem>>, vector<16xf32>,
      %get3A_77 = arith.constant 7 : i32
      %get3A_78 = arith.index_cast %get3A_77 : i32 to index
      %get3A_79 = arith.index_cast %mul3A_33 : i32 to index
      %get3A_80 = tpu.vector_load %arg8[%get3A_78, %get3A_79] {strides = array<i32>} : memref<16x512xf32, #tpu.memory_space<vmem>>, vector<16xf32>,
      %get3A_81 = arith.constant 8 : i32
      %get3A_82 = arith.index_cast %get3A_81 : i32 to index
      %get3A_83 = arith.index_cast %mul3A_33 : i32 to index
      %get3A_84 = tpu.vector_load %arg8[%get3A_82, %get3A_83] {strides = array<i32>} : memref<16x512xf32, #tpu.memory_space<vmem>>, vector<16xf32>,
      %get3A_85 = arith.constant 9 : i32
      %get3A_86 = arith.index_cast %get3A_85 : i32 to index
      %get3A_87 = arith.index_cast %mul3A_33 : i32 to index
      %get3A_88 = tpu.vector_load %arg8[%get3A_86, %get3A_87] {strides = array<i32>} : memref<16x512xf32, #tpu.memory_space<vmem>>, vector<16xf32>,
      %get3A_89 = arith.constant 10 : i32
      %get3A_90 = arith.index_cast %get3A_89 : i32 to index
      %get3A_91 = arith.index_cast %mul3A_33 : i32 to index
      %get3A_92 = tpu.vector_load %arg8[%get3A_90, %get3A_91] {strides = array<i32>} : memref<16x512xf32, #tpu.memory_space<vmem>>, vector<16xf32>,
      %get3A_93 = arith.constant 11 : i32
      %get3A_94 = arith.index_cast %get3A_93 : i32 to index
      %get3A_95 = arith.index_cast %mul3A_33 : i32 to index
      %get3A_96 = tpu.vector_load %arg8[%get3A_94, %get3A_95] {strides = array<i32>} : memref<16x512xf32, #tpu.memory_space<vmem>>, vector<16xf32>,
      %get3A_97 = arith.constant 12 : i32
      %get3A_98 = arith.index_cast %get3A_97 : i32 to index
      %get3A_99 = arith.index_cast %mul3A_33 : i32 to index
      %get3A_100 = tpu.vector_load %arg8[%get3A_98, %get3A_99] {strides = array<i32>} : memref<16x512xf32, #tpu.memory_space<vmem>>, vector<16xf32>,
      %get3A_101 = arith.constant 13 : i32
      %get3A_102 = arith.index_cast %get3A_101 : i32 to index
      %get3A_103 = arith.index_cast %mul3A_33 : i32 to index
      %get3A_104 = tpu.vector_load %arg8[%get3A_102, %get3A_103] {strides = array<i32>} : memref<16x512xf32, #tpu.memory_space<vmem>>, vector<16xf32>,
      %get3A_105 = arith.constant 14 : i32
      %get3A_106 = arith.index_cast %get3A_105 : i32 to index
      %get3A_107 = arith.index_cast %mul3A_33 : i32 to index
      %get3A_108 = tpu.vector_load %arg8[%get3A_106, %get3A_107] {strides = array<i32>} : memref<16x512xf32, #tpu.memory_space<vmem>>, vector<16xf32>,
      %get3A_109 = arith.constant 15 : i32
      %get3A_110 = arith.index_cast %get3A_109 : i32 to index
      %get3A_111 = arith.index_cast %mul3A_33 : i32 to index
      %get3A_112 = tpu.vector_load %arg8[%get3A_110, %get3A_111] {strides = array<i32>} : memref<16x512xf32, #tpu.memory_space<vmem>>, vector<16xf32>,
      %scan3A_113 = arith.constant 0 : i32
      %scan3A_114 = arith.constant 0 : i32
      %scan3A_115 = arith.constant 32 : i32
      %scan3A_116 = arith.addi %scan3A_114, %scan3A_115 : i32
      %scan3A_117 = arith.constant 1 : i32
      %scan3A_118 = scf.for %scan3A_121 = %scan3A_114 to %scan3A_116 step %scan3A_117 iter_args(%scan3A_122 = %scan3A_113) -> (i32)  : i32 {
        %broadcast_in_dim3A = vector.broadcast %scan3A_121 : i32 to vector<16xi32>
        %gather3A = tpu.vector_load_idx %arg6[%broadcast_in_dim3A, %get3A_36] : memref<32x1024xf32, #tpu.memory_space<vmem>>[vector<16xi32>, vector<16xi32>], vector<16xf32>,
        %gather3A_123 = tpu.vector_load_idx %arg6[%broadcast_in_dim3A, %get3A_40] : memref<32x1024xf32, #tpu.memory_space<vmem>>[vector<16xi32>, vector<16xi32>], vector<16xf32>,
        %gather3A_124 = tpu.vector_load_idx %arg6[%broadcast_in_dim3A, %get3A_44] : memref<32x1024xf32, #tpu.memory_space<vmem>>[vector<16xi32>, vector<16xi32>], vector<16xf32>,
        %gather3A_125 = tpu.vector_load_idx %arg6[%broadcast_in_dim3A, %get3A_48] : memref<32x1024xf32, #tpu.memory_space<vmem>>[vector<16xi32>, vector<16xi32>], vector<16xf32>,
        %mul3A_126 = arith.mulf %gather3A, %gather3A_123 : vector<16xf32>
        %sub3A = arith.subf %gather3A, %mul3A_126 : vector<16xf32>
        %sub3A_127 = arith.subf %gather3A_123, %mul3A_126 : vector<16xf32>
        %sub3A_128 = arith.constant 1.000000e+00 : f32
        %sub3A_129 = vector.broadcast %sub3A_128 : f32 to vector<16xf32>
        %sub3A_130 = arith.subf %sub3A_129, %gather3A : vector<16xf32>
        %sub3A_131 = arith.subf %sub3A_130, %sub3A_127 : vector<16xf32>
        %mul3A_132 = arith.mulf %gather3A_124, %gather3A_125 : vector<16xf32>
        %sub3A_133 = arith.subf %gather3A_124, %mul3A_132 : vector<16xf32>
        %sub3A_134 = arith.subf %gather3A_125, %mul3A_132 : vector<16xf32>
        %sub3A_135 = arith.constant 1.000000e+00 : f32
        %sub3A_136 = vector.broadcast %sub3A_135 : f32 to vector<16xf32>
        %sub3A_137 = arith.subf %sub3A_136, %gather3A_124 : vector<16xf32>
        %sub3A_138 = arith.subf %sub3A_137, %sub3A_134 : vector<16xf32>
        %mul3A_139 = arith.mulf %get3A_52, %sub3A_131 : vector<16xf32>
        %mul3A_140 = arith.mulf %get3A_56, %sub3A : vector<16xf32>
        %add3A_141 = arith.addf %mul3A_139, %mul3A_140 : vector<16xf32>
        %mul3A_142 = arith.mulf %get3A_60, %sub3A_127 : vector<16xf32>
        %add3A_143 = arith.addf %add3A_141, %mul3A_142 : vector<16xf32>
        %mul3A_144 = arith.mulf %get3A_64, %mul3A_126 : vector<16xf32>
        %add3A_145 = arith.addf %add3A_143, %mul3A_144 : vector<16xf32>
        %mul3A_146 = arith.mulf %get3A_68, %sub3A_131 : vector<16xf32>
        %mul3A_147 = arith.mulf %get3A_72, %sub3A : vector<16xf32>
        %add3A_148 = arith.addf %mul3A_146, %mul3A_147 : vector<16xf32>
        %mul3A_149 = arith.mulf %get3A_76, %sub3A_127 : vector<16xf32>
        %add3A_150 = arith.addf %add3A_148, %mul3A_149 : vector<16xf32>
        %mul3A_151 = arith.mulf %get3A_80, %mul3A_126 : vector<16xf32>
        %add3A_152 = arith.addf %add3A_150, %mul3A_151 : vector<16xf32>
        %mul3A_153 = arith.mulf %get3A_84, %sub3A_131 : vector<16xf32>
        %mul3A_154 = arith.mulf %get3A_88, %sub3A : vector<16xf32>
        %add3A_155 = arith.addf %mul3A_153, %mul3A_154 : vector<16xf32>
        %mul3A_156 = arith.mulf %get3A_92, %sub3A_127 : vector<16xf32>
        %add3A_157 = arith.addf %add3A_155, %mul3A_156 : vector<16xf32>
        %mul3A_158 = arith.mulf %get3A_96, %mul3A_126 : vector<16xf32>
        %add3A_159 = arith.addf %add3A_157, %mul3A_158 : vector<16xf32>
        %mul3A_160 = arith.mulf %get3A_100, %sub3A_131 : vector<16xf32>
        %mul3A_161 = arith.mulf %get3A_104, %sub3A : vector<16xf32>
        %add3A_162 = arith.addf %mul3A_160, %mul3A_161 : vector<16xf32>
        %mul3A_163 = arith.mulf %get3A_108, %sub3A_127 : vector<16xf32>
        %add3A_164 = arith.addf %add3A_162, %mul3A_163 : vector<16xf32>
        %mul3A_165 = arith.mulf %get3A_112, %mul3A_126 : vector<16xf32>
        %add3A_166 = arith.addf %add3A_164, %mul3A_165 : vector<16xf32>
        %mul3A_167 = arith.mulf %sub3A_138, %add3A_145 : vector<16xf32>
        %mul3A_168 = arith.mulf %sub3A_133, %add3A_152 : vector<16xf32>
        %add3A_169 = arith.addf %mul3A_167, %mul3A_168 : vector<16xf32>
        %mul3A_170 = arith.mulf %sub3A_134, %add3A_159 : vector<16xf32>
        %add3A_171 = arith.addf %add3A_169, %mul3A_170 : vector<16xf32>
        %mul3A_172 = arith.mulf %mul3A_132, %add3A_166 : vector<16xf32>
        %add3A_173 = arith.addf %add3A_171, %mul3A_172 : vector<16xf32>
        %swap3A = arith.index_cast %scan3A_121 : i32 to index
        %swap3A_174 = arith.index_cast %mul3A_33 : i32 to index
        %swap3A_175 = tpu.vector_load %arg9[%swap3A, %swap3A_174] {strides = array<i32>} : memref<32x512xf32, #tpu.memory_space<vmem>>, vector<16xf32>,
        tpu.vector_store %arg9[%swap3A, %swap3A_174], %add3A_173 {strides = array<i32>} : memref<32x512xf32, #tpu.memory_space<vmem>>, vector<16xf32>,
        %scan3A_176 = arith.constant 0 : i32
        scf.yield %scan3A_176 : i32
      }
      %scan3A_119 = arith.constant 32 : i32
      %scan3A_120 = arith.constant 0 : i32
      scf.yield %scan3A_120 : i32
    }
    %scan3A_15 = arith.constant 32 : i32
    "tpu.region"() ({
      %run_scoped3A = tpu.sem_alloc : memref<!tpu.dma_semaphore, #tpu.memory_space<semaphore_mem>>
      %dma_start3A = arith.constant 512 : i32
      %dma_start3A_30 = tpu.memref_slice %arg5[%mul3A_2, %dma_start3A] : memref<1024x2048xf32, #tpu.memory_space<hbm>> -> memref<32x512xf32, #tpu.memory_space<hbm>>
      %dma_start3A_31 = arith.constant 512 : i32
      %dma_start3A_32 = tpu.memref_slice %arg5[%mul3A_2, %dma_start3A_31] : memref<1024x2048xf32, #tpu.memory_space<hbm>> -> memref<32x512xf32, #tpu.memory_space<hbm>>
      tpu.enqueue_dma source(%arg9 : memref<32x512xf32, #tpu.memory_space<vmem>>) target(%dma_start3A_32 : memref<32x512xf32, #tpu.memory_space<hbm>>) target_semaphore(%run_scoped3A : memref<!tpu.dma_semaphore, #tpu.memory_space<semaphore_mem>>)
      %dma_wait3A = arith.constant 512 : i32
      %dma_wait3A_33 = tpu.memref_slice %arg5[%mul3A_2, %dma_wait3A] : memref<1024x2048xf32, #tpu.memory_space<hbm>> -> memref<32x512xf32, #tpu.memory_space<hbm>>
      %dma_wait3A_34 = arith.constant 512 : i32
      %dma_wait3A_35 = tpu.memref_slice %arg5[%mul3A_2, %dma_wait3A_34] : memref<1024x2048xf32, #tpu.memory_space<hbm>> -> memref<32x512xf32, #tpu.memory_space<hbm>>
      tpu.wait_dma2 semaphore(%run_scoped3A : memref<!tpu.dma_semaphore, #tpu.memory_space<semaphore_mem>>) src(%arg9 : memref<32x512xf32, #tpu.memory_space<vmem>>) dst(%dma_wait3A_35 : memref<32x512xf32, #tpu.memory_space<hbm>>)
      tpu.yield
    }) : () -> ()
    "tpu.region"() ({
      %run_scoped3A = tpu.sem_alloc : memref<!tpu.dma_semaphore, #tpu.memory_space<semaphore_mem>>
      %dma_start3A = arith.constant 0 : i32
      %dma_start3A_30 = arith.constant 1024 : i32
      %dma_start3A_31 = tpu.memref_slice %arg3[%dma_start3A, %dma_start3A_30] : memref<4x2048xi32, #tpu.memory_space<hbm>> -> memref<4x512xi32, #tpu.memory_space<hbm>>
      %dma_start3A_32 = arith.constant 0 : i32
      %dma_start3A_33 = arith.constant 1024 : i32
      %dma_start3A_34 = tpu.memref_slice %arg3[%dma_start3A_32, %dma_start3A_33] : memref<4x2048xi32, #tpu.memory_space<hbm>> -> memref<4x512xi32, #tpu.memory_space<hbm>>
      tpu.enqueue_dma source(%dma_start3A_34 : memref<4x512xi32, #tpu.memory_space<hbm>>) target(%arg7 : memref<4x512xi32, #tpu.memory_space<vmem>>) target_semaphore(%run_scoped3A : memref<!tpu.dma_semaphore, #tpu.memory_space<semaphore_mem>>)
      %dma_wait3A = arith.constant 0 : i32
      %dma_wait3A_35 = arith.constant 1024 : i32
      %dma_wait3A_36 = tpu.memref_slice %arg3[%dma_wait3A, %dma_wait3A_35] : memref<4x2048xi32, #tpu.memory_space<hbm>> -> memref<4x512xi32, #tpu.memory_space<hbm>>
      %dma_wait3A_37 = arith.constant 0 : i32
      %dma_wait3A_38 = arith.constant 1024 : i32
      %dma_wait3A_39 = tpu.memref_slice %arg3[%dma_wait3A_37, %dma_wait3A_38] : memref<4x2048xi32, #tpu.memory_space<hbm>> -> memref<4x512xi32, #tpu.memory_space<hbm>>
      tpu.wait_dma2 semaphore(%run_scoped3A : memref<!tpu.dma_semaphore, #tpu.memory_space<semaphore_mem>>) src(%dma_wait3A_39 : memref<4x512xi32, #tpu.memory_space<hbm>>) dst(%arg7 : memref<4x512xi32, #tpu.memory_space<vmem>>)
      tpu.yield
    }) : () -> ()
    "tpu.region"() ({
      %run_scoped3A = tpu.sem_alloc : memref<!tpu.dma_semaphore, #tpu.memory_space<semaphore_mem>>
      %dma_start3A = arith.constant 0 : i32
      %dma_start3A_30 = arith.constant 1024 : i32
      %dma_start3A_31 = tpu.memref_slice %arg4[%dma_start3A, %dma_start3A_30] : memref<16x2048xf32, #tpu.memory_space<hbm>> -> memref<16x512xf32, #tpu.memory_space<hbm>>
      %dma_start3A_32 = arith.constant 0 : i32
      %dma_start3A_33 = arith.constant 1024 : i32
      %dma_start3A_34 = tpu.memref_slice %arg4[%dma_start3A_32, %dma_start3A_33] : memref<16x2048xf32, #tpu.memory_space<hbm>> -> memref<16x512xf32, #tpu.memory_space<hbm>>
      tpu.enqueue_dma source(%dma_start3A_34 : memref<16x512xf32, #tpu.memory_space<hbm>>) target(%arg8 : memref<16x512xf32, #tpu.memory_space<vmem>>) target_semaphore(%run_scoped3A : memref<!tpu.dma_semaphore, #tpu.memory_space<semaphore_mem>>)
      %dma_wait3A = arith.constant 0 : i32
      %dma_wait3A_35 = arith.constant 1024 : i32
      %dma_wait3A_36 = tpu.memref_slice %arg4[%dma_wait3A, %dma_wait3A_35] : memref<16x2048xf32, #tpu.memory_space<hbm>> -> memref<16x512xf32, #tpu.memory_space<hbm>>
      %dma_wait3A_37 = arith.constant 0 : i32
      %dma_wait3A_38 = arith.constant 1024 : i32
      %dma_wait3A_39 = tpu.memref_slice %arg4[%dma_wait3A_37, %dma_wait3A_38] : memref<16x2048xf32, #tpu.memory_space<hbm>> -> memref<16x512xf32, #tpu.memory_space<hbm>>
      tpu.wait_dma2 semaphore(%run_scoped3A : memref<!tpu.dma_semaphore, #tpu.memory_space<semaphore_mem>>) src(%dma_wait3A_39 : memref<16x512xf32, #tpu.memory_space<hbm>>) dst(%arg8 : memref<16x512xf32, #tpu.memory_space<vmem>>)
      tpu.yield
    }) : () -> ()
    %scan3A_16 = arith.constant 0 : i32
    %scan3A_17 = arith.constant 0 : i32
    %scan3A_18 = arith.constant 32 : i32
    %scan3A_19 = arith.addi %scan3A_17, %scan3A_18 : i32
    %scan3A_20 = arith.constant 1 : i32
    %scan3A_21 = scf.for %scan3A_30 = %scan3A_17 to %scan3A_19 step %scan3A_20 iter_args(%scan3A_31 = %scan3A_16) -> (i32)  : i32 {
      %mul3A_32 = arith.constant 16 : i32
      %mul3A_33 = arith.muli %scan3A_30, %mul3A_32 : i32
      %get3A = arith.constant 0 : i32
      %get3A_34 = arith.index_cast %get3A : i32 to index
      %get3A_35 = arith.index_cast %mul3A_33 : i32 to index
      %get3A_36 = tpu.vector_load %arg7[%get3A_34, %get3A_35] {strides = array<i32>} : memref<4x512xi32, #tpu.memory_space<vmem>>, vector<16xi32>,
      %get3A_37 = arith.constant 1 : i32
      %get3A_38 = arith.index_cast %get3A_37 : i32 to index
      %get3A_39 = arith.index_cast %mul3A_33 : i32 to index
      %get3A_40 = tpu.vector_load %arg7[%get3A_38, %get3A_39] {strides = array<i32>} : memref<4x512xi32, #tpu.memory_space<vmem>>, vector<16xi32>,
      %get3A_41 = arith.constant 2 : i32
      %get3A_42 = arith.index_cast %get3A_41 : i32 to index
      %get3A_43 = arith.index_cast %mul3A_33 : i32 to index
      %get3A_44 = tpu.vector_load %arg7[%get3A_42, %get3A_43] {strides = array<i32>} : memref<4x512xi32, #tpu.memory_space<vmem>>, vector<16xi32>,
      %get3A_45 = arith.constant 3 : i32
      %get3A_46 = arith.index_cast %get3A_45 : i32 to index
      %get3A_47 = arith.index_cast %mul3A_33 : i32 to index
      %get3A_48 = tpu.vector_load %arg7[%get3A_46, %get3A_47] {strides = array<i32>} : memref<4x512xi32, #tpu.memory_space<vmem>>, vector<16xi32>,
      %get3A_49 = arith.constant 0 : i32
      %get3A_50 = arith.index_cast %get3A_49 : i32 to index
      %get3A_51 = arith.index_cast %mul3A_33 : i32 to index
      %get3A_52 = tpu.vector_load %arg8[%get3A_50, %get3A_51] {strides = array<i32>} : memref<16x512xf32, #tpu.memory_space<vmem>>, vector<16xf32>,
      %get3A_53 = arith.constant 1 : i32
      %get3A_54 = arith.index_cast %get3A_53 : i32 to index
      %get3A_55 = arith.index_cast %mul3A_33 : i32 to index
      %get3A_56 = tpu.vector_load %arg8[%get3A_54, %get3A_55] {strides = array<i32>} : memref<16x512xf32, #tpu.memory_space<vmem>>, vector<16xf32>,
      %get3A_57 = arith.constant 2 : i32
      %get3A_58 = arith.index_cast %get3A_57 : i32 to index
      %get3A_59 = arith.index_cast %mul3A_33 : i32 to index
      %get3A_60 = tpu.vector_load %arg8[%get3A_58, %get3A_59] {strides = array<i32>} : memref<16x512xf32, #tpu.memory_space<vmem>>, vector<16xf32>,
      %get3A_61 = arith.constant 3 : i32
      %get3A_62 = arith.index_cast %get3A_61 : i32 to index
      %get3A_63 = arith.index_cast %mul3A_33 : i32 to index
      %get3A_64 = tpu.vector_load %arg8[%get3A_62, %get3A_63] {strides = array<i32>} : memref<16x512xf32, #tpu.memory_space<vmem>>, vector<16xf32>,
      %get3A_65 = arith.constant 4 : i32
      %get3A_66 = arith.index_cast %get3A_65 : i32 to index
      %get3A_67 = arith.index_cast %mul3A_33 : i32 to index
      %get3A_68 = tpu.vector_load %arg8[%get3A_66, %get3A_67] {strides = array<i32>} : memref<16x512xf32, #tpu.memory_space<vmem>>, vector<16xf32>,
      %get3A_69 = arith.constant 5 : i32
      %get3A_70 = arith.index_cast %get3A_69 : i32 to index
      %get3A_71 = arith.index_cast %mul3A_33 : i32 to index
      %get3A_72 = tpu.vector_load %arg8[%get3A_70, %get3A_71] {strides = array<i32>} : memref<16x512xf32, #tpu.memory_space<vmem>>, vector<16xf32>,
      %get3A_73 = arith.constant 6 : i32
      %get3A_74 = arith.index_cast %get3A_73 : i32 to index
      %get3A_75 = arith.index_cast %mul3A_33 : i32 to index
      %get3A_76 = tpu.vector_load %arg8[%get3A_74, %get3A_75] {strides = array<i32>} : memref<16x512xf32, #tpu.memory_space<vmem>>, vector<16xf32>,
      %get3A_77 = arith.constant 7 : i32
      %get3A_78 = arith.index_cast %get3A_77 : i32 to index
      %get3A_79 = arith.index_cast %mul3A_33 : i32 to index
      %get3A_80 = tpu.vector_load %arg8[%get3A_78, %get3A_79] {strides = array<i32>} : memref<16x512xf32, #tpu.memory_space<vmem>>, vector<16xf32>,
      %get3A_81 = arith.constant 8 : i32
      %get3A_82 = arith.index_cast %get3A_81 : i32 to index
      %get3A_83 = arith.index_cast %mul3A_33 : i32 to index
      %get3A_84 = tpu.vector_load %arg8[%get3A_82, %get3A_83] {strides = array<i32>} : memref<16x512xf32, #tpu.memory_space<vmem>>, vector<16xf32>,
      %get3A_85 = arith.constant 9 : i32
      %get3A_86 = arith.index_cast %get3A_85 : i32 to index
      %get3A_87 = arith.index_cast %mul3A_33 : i32 to index
      %get3A_88 = tpu.vector_load %arg8[%get3A_86, %get3A_87] {strides = array<i32>} : memref<16x512xf32, #tpu.memory_space<vmem>>, vector<16xf32>,
      %get3A_89 = arith.constant 10 : i32
      %get3A_90 = arith.index_cast %get3A_89 : i32 to index
      %get3A_91 = arith.index_cast %mul3A_33 : i32 to index
      %get3A_92 = tpu.vector_load %arg8[%get3A_90, %get3A_91] {strides = array<i32>} : memref<16x512xf32, #tpu.memory_space<vmem>>, vector<16xf32>,
      %get3A_93 = arith.constant 11 : i32
      %get3A_94 = arith.index_cast %get3A_93 : i32 to index
      %get3A_95 = arith.index_cast %mul3A_33 : i32 to index
      %get3A_96 = tpu.vector_load %arg8[%get3A_94, %get3A_95] {strides = array<i32>} : memref<16x512xf32, #tpu.memory_space<vmem>>, vector<16xf32>,
      %get3A_97 = arith.constant 12 : i32
      %get3A_98 = arith.index_cast %get3A_97 : i32 to index
      %get3A_99 = arith.index_cast %mul3A_33 : i32 to index
      %get3A_100 = tpu.vector_load %arg8[%get3A_98, %get3A_99] {strides = array<i32>} : memref<16x512xf32, #tpu.memory_space<vmem>>, vector<16xf32>,
      %get3A_101 = arith.constant 13 : i32
      %get3A_102 = arith.index_cast %get3A_101 : i32 to index
      %get3A_103 = arith.index_cast %mul3A_33 : i32 to index
      %get3A_104 = tpu.vector_load %arg8[%get3A_102, %get3A_103] {strides = array<i32>} : memref<16x512xf32, #tpu.memory_space<vmem>>, vector<16xf32>,
      %get3A_105 = arith.constant 14 : i32
      %get3A_106 = arith.index_cast %get3A_105 : i32 to index
      %get3A_107 = arith.index_cast %mul3A_33 : i32 to index
      %get3A_108 = tpu.vector_load %arg8[%get3A_106, %get3A_107] {strides = array<i32>} : memref<16x512xf32, #tpu.memory_space<vmem>>, vector<16xf32>,
      %get3A_109 = arith.constant 15 : i32
      %get3A_110 = arith.index_cast %get3A_109 : i32 to index
      %get3A_111 = arith.index_cast %mul3A_33 : i32 to index
      %get3A_112 = tpu.vector_load %arg8[%get3A_110, %get3A_111] {strides = array<i32>} : memref<16x512xf32, #tpu.memory_space<vmem>>, vector<16xf32>,
      %scan3A_113 = arith.constant 0 : i32
      %scan3A_114 = arith.constant 0 : i32
      %scan3A_115 = arith.constant 32 : i32
      %scan3A_116 = arith.addi %scan3A_114, %scan3A_115 : i32
      %scan3A_117 = arith.constant 1 : i32
      %scan3A_118 = scf.for %scan3A_121 = %scan3A_114 to %scan3A_116 step %scan3A_117 iter_args(%scan3A_122 = %scan3A_113) -> (i32)  : i32 {
        %broadcast_in_dim3A = vector.broadcast %scan3A_121 : i32 to vector<16xi32>
        %gather3A = tpu.vector_load_idx %arg6[%broadcast_in_dim3A, %get3A_36] : memref<32x1024xf32, #tpu.memory_space<vmem>>[vector<16xi32>, vector<16xi32>], vector<16xf32>,
        %gather3A_123 = tpu.vector_load_idx %arg6[%broadcast_in_dim3A, %get3A_40] : memref<32x1024xf32, #tpu.memory_space<vmem>>[vector<16xi32>, vector<16xi32>], vector<16xf32>,
        %gather3A_124 = tpu.vector_load_idx %arg6[%broadcast_in_dim3A, %get3A_44] : memref<32x1024xf32, #tpu.memory_space<vmem>>[vector<16xi32>, vector<16xi32>], vector<16xf32>,
        %gather3A_125 = tpu.vector_load_idx %arg6[%broadcast_in_dim3A, %get3A_48] : memref<32x1024xf32, #tpu.memory_space<vmem>>[vector<16xi32>, vector<16xi32>], vector<16xf32>,
        %mul3A_126 = arith.mulf %gather3A, %gather3A_123 : vector<16xf32>
        %sub3A = arith.subf %gather3A, %mul3A_126 : vector<16xf32>
        %sub3A_127 = arith.subf %gather3A_123, %mul3A_126 : vector<16xf32>
        %sub3A_128 = arith.constant 1.000000e+00 : f32
        %sub3A_129 = vector.broadcast %sub3A_128 : f32 to vector<16xf32>
        %sub3A_130 = arith.subf %sub3A_129, %gather3A : vector<16xf32>
        %sub3A_131 = arith.subf %sub3A_130, %sub3A_127 : vector<16xf32>
        %mul3A_132 = arith.mulf %gather3A_124, %gather3A_125 : vector<16xf32>
        %sub3A_133 = arith.subf %gather3A_124, %mul3A_132 : vector<16xf32>
        %sub3A_134 = arith.subf %gather3A_125, %mul3A_132 : vector<16xf32>
        %sub3A_135 = arith.constant 1.000000e+00 : f32
        %sub3A_136 = vector.broadcast %sub3A_135 : f32 to vector<16xf32>
        %sub3A_137 = arith.subf %sub3A_136, %gather3A_124 : vector<16xf32>
        %sub3A_138 = arith.subf %sub3A_137, %sub3A_134 : vector<16xf32>
        %mul3A_139 = arith.mulf %get3A_52, %sub3A_131 : vector<16xf32>
        %mul3A_140 = arith.mulf %get3A_56, %sub3A : vector<16xf32>
        %add3A_141 = arith.addf %mul3A_139, %mul3A_140 : vector<16xf32>
        %mul3A_142 = arith.mulf %get3A_60, %sub3A_127 : vector<16xf32>
        %add3A_143 = arith.addf %add3A_141, %mul3A_142 : vector<16xf32>
        %mul3A_144 = arith.mulf %get3A_64, %mul3A_126 : vector<16xf32>
        %add3A_145 = arith.addf %add3A_143, %mul3A_144 : vector<16xf32>
        %mul3A_146 = arith.mulf %get3A_68, %sub3A_131 : vector<16xf32>
        %mul3A_147 = arith.mulf %get3A_72, %sub3A : vector<16xf32>
        %add3A_148 = arith.addf %mul3A_146, %mul3A_147 : vector<16xf32>
        %mul3A_149 = arith.mulf %get3A_76, %sub3A_127 : vector<16xf32>
        %add3A_150 = arith.addf %add3A_148, %mul3A_149 : vector<16xf32>
        %mul3A_151 = arith.mulf %get3A_80, %mul3A_126 : vector<16xf32>
        %add3A_152 = arith.addf %add3A_150, %mul3A_151 : vector<16xf32>
        %mul3A_153 = arith.mulf %get3A_84, %sub3A_131 : vector<16xf32>
        %mul3A_154 = arith.mulf %get3A_88, %sub3A : vector<16xf32>
        %add3A_155 = arith.addf %mul3A_153, %mul3A_154 : vector<16xf32>
        %mul3A_156 = arith.mulf %get3A_92, %sub3A_127 : vector<16xf32>
        %add3A_157 = arith.addf %add3A_155, %mul3A_156 : vector<16xf32>
        %mul3A_158 = arith.mulf %get3A_96, %mul3A_126 : vector<16xf32>
        %add3A_159 = arith.addf %add3A_157, %mul3A_158 : vector<16xf32>
        %mul3A_160 = arith.mulf %get3A_100, %sub3A_131 : vector<16xf32>
        %mul3A_161 = arith.mulf %get3A_104, %sub3A : vector<16xf32>
        %add3A_162 = arith.addf %mul3A_160, %mul3A_161 : vector<16xf32>
        %mul3A_163 = arith.mulf %get3A_108, %sub3A_127 : vector<16xf32>
        %add3A_164 = arith.addf %add3A_162, %mul3A_163 : vector<16xf32>
        %mul3A_165 = arith.mulf %get3A_112, %mul3A_126 : vector<16xf32>
        %add3A_166 = arith.addf %add3A_164, %mul3A_165 : vector<16xf32>
        %mul3A_167 = arith.mulf %sub3A_138, %add3A_145 : vector<16xf32>
        %mul3A_168 = arith.mulf %sub3A_133, %add3A_152 : vector<16xf32>
        %add3A_169 = arith.addf %mul3A_167, %mul3A_168 : vector<16xf32>
        %mul3A_170 = arith.mulf %sub3A_134, %add3A_159 : vector<16xf32>
        %add3A_171 = arith.addf %add3A_169, %mul3A_170 : vector<16xf32>
        %mul3A_172 = arith.mulf %mul3A_132, %add3A_166 : vector<16xf32>
        %add3A_173 = arith.addf %add3A_171, %mul3A_172 : vector<16xf32>
        %swap3A = arith.index_cast %scan3A_121 : i32 to index
        %swap3A_174 = arith.index_cast %mul3A_33 : i32 to index
        %swap3A_175 = tpu.vector_load %arg9[%swap3A, %swap3A_174] {strides = array<i32>} : memref<32x512xf32, #tpu.memory_space<vmem>>, vector<16xf32>,
        tpu.vector_store %arg9[%swap3A, %swap3A_174], %add3A_173 {strides = array<i32>} : memref<32x512xf32, #tpu.memory_space<vmem>>, vector<16xf32>,
        %scan3A_176 = arith.constant 0 : i32
        scf.yield %scan3A_176 : i32
      }
      %scan3A_119 = arith.constant 32 : i32
      %scan3A_120 = arith.constant 0 : i32
      scf.yield %scan3A_120 : i32
    }
    %scan3A_22 = arith.constant 32 : i32
    "tpu.region"() ({
      %run_scoped3A = tpu.sem_alloc : memref<!tpu.dma_semaphore, #tpu.memory_space<semaphore_mem>>
      %dma_start3A = arith.constant 1024 : i32
      %dma_start3A_30 = tpu.memref_slice %arg5[%mul3A_2, %dma_start3A] : memref<1024x2048xf32, #tpu.memory_space<hbm>> -> memref<32x512xf32, #tpu.memory_space<hbm>>
      %dma_start3A_31 = arith.constant 1024 : i32
      %dma_start3A_32 = tpu.memref_slice %arg5[%mul3A_2, %dma_start3A_31] : memref<1024x2048xf32, #tpu.memory_space<hbm>> -> memref<32x512xf32, #tpu.memory_space<hbm>>
      tpu.enqueue_dma source(%arg9 : memref<32x512xf32, #tpu.memory_space<vmem>>) target(%dma_start3A_32 : memref<32x512xf32, #tpu.memory_space<hbm>>) target_semaphore(%run_scoped3A : memref<!tpu.dma_semaphore, #tpu.memory_space<semaphore_mem>>)
      %dma_wait3A = arith.constant 1024 : i32
      %dma_wait3A_33 = tpu.memref_slice %arg5[%mul3A_2, %dma_wait3A] : memref<1024x2048xf32, #tpu.memory_space<hbm>> -> memref<32x512xf32, #tpu.memory_space<hbm>>
      %dma_wait3A_34 = arith.constant 1024 : i32
      %dma_wait3A_35 = tpu.memref_slice %arg5[%mul3A_2, %dma_wait3A_34] : memref<1024x2048xf32, #tpu.memory_space<hbm>> -> memref<32x512xf32, #tpu.memory_space<hbm>>
      tpu.wait_dma2 semaphore(%run_scoped3A : memref<!tpu.dma_semaphore, #tpu.memory_space<semaphore_mem>>) src(%arg9 : memref<32x512xf32, #tpu.memory_space<vmem>>) dst(%dma_wait3A_35 : memref<32x512xf32, #tpu.memory_space<hbm>>)
      tpu.yield
    }) : () -> ()
    "tpu.region"() ({
      %run_scoped3A = tpu.sem_alloc : memref<!tpu.dma_semaphore, #tpu.memory_space<semaphore_mem>>
      %dma_start3A = arith.constant 0 : i32
      %dma_start3A_30 = arith.constant 1536 : i32
      %dma_start3A_31 = tpu.memref_slice %arg3[%dma_start3A, %dma_start3A_30] : memref<4x2048xi32, #tpu.memory_space<hbm>> -> memref<4x512xi32, #tpu.memory_space<hbm>>
      %dma_start3A_32 = arith.constant 0 : i32
      %dma_start3A_33 = arith.constant 1536 : i32
      %dma_start3A_34 = tpu.memref_slice %arg3[%dma_start3A_32, %dma_start3A_33] : memref<4x2048xi32, #tpu.memory_space<hbm>> -> memref<4x512xi32, #tpu.memory_space<hbm>>
      tpu.enqueue_dma source(%dma_start3A_34 : memref<4x512xi32, #tpu.memory_space<hbm>>) target(%arg7 : memref<4x512xi32, #tpu.memory_space<vmem>>) target_semaphore(%run_scoped3A : memref<!tpu.dma_semaphore, #tpu.memory_space<semaphore_mem>>)
      %dma_wait3A = arith.constant 0 : i32
      %dma_wait3A_35 = arith.constant 1536 : i32
      %dma_wait3A_36 = tpu.memref_slice %arg3[%dma_wait3A, %dma_wait3A_35] : memref<4x2048xi32, #tpu.memory_space<hbm>> -> memref<4x512xi32, #tpu.memory_space<hbm>>
      %dma_wait3A_37 = arith.constant 0 : i32
      %dma_wait3A_38 = arith.constant 1536 : i32
      %dma_wait3A_39 = tpu.memref_slice %arg3[%dma_wait3A_37, %dma_wait3A_38] : memref<4x2048xi32, #tpu.memory_space<hbm>> -> memref<4x512xi32, #tpu.memory_space<hbm>>
      tpu.wait_dma2 semaphore(%run_scoped3A : memref<!tpu.dma_semaphore, #tpu.memory_space<semaphore_mem>>) src(%dma_wait3A_39 : memref<4x512xi32, #tpu.memory_space<hbm>>) dst(%arg7 : memref<4x512xi32, #tpu.memory_space<vmem>>)
      tpu.yield
    }) : () -> ()
    "tpu.region"() ({
      %run_scoped3A = tpu.sem_alloc : memref<!tpu.dma_semaphore, #tpu.memory_space<semaphore_mem>>
      %dma_start3A = arith.constant 0 : i32
      %dma_start3A_30 = arith.constant 1536 : i32
      %dma_start3A_31 = tpu.memref_slice %arg4[%dma_start3A, %dma_start3A_30] : memref<16x2048xf32, #tpu.memory_space<hbm>> -> memref<16x512xf32, #tpu.memory_space<hbm>>
      %dma_start3A_32 = arith.constant 0 : i32
      %dma_start3A_33 = arith.constant 1536 : i32
      %dma_start3A_34 = tpu.memref_slice %arg4[%dma_start3A_32, %dma_start3A_33] : memref<16x2048xf32, #tpu.memory_space<hbm>> -> memref<16x512xf32, #tpu.memory_space<hbm>>
      tpu.enqueue_dma source(%dma_start3A_34 : memref<16x512xf32, #tpu.memory_space<hbm>>) target(%arg8 : memref<16x512xf32, #tpu.memory_space<vmem>>) target_semaphore(%run_scoped3A : memref<!tpu.dma_semaphore, #tpu.memory_space<semaphore_mem>>)
      %dma_wait3A = arith.constant 0 : i32
      %dma_wait3A_35 = arith.constant 1536 : i32
      %dma_wait3A_36 = tpu.memref_slice %arg4[%dma_wait3A, %dma_wait3A_35] : memref<16x2048xf32, #tpu.memory_space<hbm>> -> memref<16x512xf32, #tpu.memory_space<hbm>>
      %dma_wait3A_37 = arith.constant 0 : i32
      %dma_wait3A_38 = arith.constant 1536 : i32
      %dma_wait3A_39 = tpu.memref_slice %arg4[%dma_wait3A_37, %dma_wait3A_38] : memref<16x2048xf32, #tpu.memory_space<hbm>> -> memref<16x512xf32, #tpu.memory_space<hbm>>
      tpu.wait_dma2 semaphore(%run_scoped3A : memref<!tpu.dma_semaphore, #tpu.memory_space<semaphore_mem>>) src(%dma_wait3A_39 : memref<16x512xf32, #tpu.memory_space<hbm>>) dst(%arg8 : memref<16x512xf32, #tpu.memory_space<vmem>>)
      tpu.yield
    }) : () -> ()
    %scan3A_23 = arith.constant 0 : i32
    %scan3A_24 = arith.constant 0 : i32
    %scan3A_25 = arith.constant 32 : i32
    %scan3A_26 = arith.addi %scan3A_24, %scan3A_25 : i32
    %scan3A_27 = arith.constant 1 : i32
    %scan3A_28 = scf.for %scan3A_30 = %scan3A_24 to %scan3A_26 step %scan3A_27 iter_args(%scan3A_31 = %scan3A_23) -> (i32)  : i32 {
      %mul3A_32 = arith.constant 16 : i32
      %mul3A_33 = arith.muli %scan3A_30, %mul3A_32 : i32
      %get3A = arith.constant 0 : i32
      %get3A_34 = arith.index_cast %get3A : i32 to index
      %get3A_35 = arith.index_cast %mul3A_33 : i32 to index
      %get3A_36 = tpu.vector_load %arg7[%get3A_34, %get3A_35] {strides = array<i32>} : memref<4x512xi32, #tpu.memory_space<vmem>>, vector<16xi32>,
      %get3A_37 = arith.constant 1 : i32
      %get3A_38 = arith.index_cast %get3A_37 : i32 to index
      %get3A_39 = arith.index_cast %mul3A_33 : i32 to index
      %get3A_40 = tpu.vector_load %arg7[%get3A_38, %get3A_39] {strides = array<i32>} : memref<4x512xi32, #tpu.memory_space<vmem>>, vector<16xi32>,
      %get3A_41 = arith.constant 2 : i32
      %get3A_42 = arith.index_cast %get3A_41 : i32 to index
      %get3A_43 = arith.index_cast %mul3A_33 : i32 to index
      %get3A_44 = tpu.vector_load %arg7[%get3A_42, %get3A_43] {strides = array<i32>} : memref<4x512xi32, #tpu.memory_space<vmem>>, vector<16xi32>,
      %get3A_45 = arith.constant 3 : i32
      %get3A_46 = arith.index_cast %get3A_45 : i32 to index
      %get3A_47 = arith.index_cast %mul3A_33 : i32 to index
      %get3A_48 = tpu.vector_load %arg7[%get3A_46, %get3A_47] {strides = array<i32>} : memref<4x512xi32, #tpu.memory_space<vmem>>, vector<16xi32>,
      %get3A_49 = arith.constant 0 : i32
      %get3A_50 = arith.index_cast %get3A_49 : i32 to index
      %get3A_51 = arith.index_cast %mul3A_33 : i32 to index
      %get3A_52 = tpu.vector_load %arg8[%get3A_50, %get3A_51] {strides = array<i32>} : memref<16x512xf32, #tpu.memory_space<vmem>>, vector<16xf32>,
      %get3A_53 = arith.constant 1 : i32
      %get3A_54 = arith.index_cast %get3A_53 : i32 to index
      %get3A_55 = arith.index_cast %mul3A_33 : i32 to index
      %get3A_56 = tpu.vector_load %arg8[%get3A_54, %get3A_55] {strides = array<i32>} : memref<16x512xf32, #tpu.memory_space<vmem>>, vector<16xf32>,
      %get3A_57 = arith.constant 2 : i32
      %get3A_58 = arith.index_cast %get3A_57 : i32 to index
      %get3A_59 = arith.index_cast %mul3A_33 : i32 to index
      %get3A_60 = tpu.vector_load %arg8[%get3A_58, %get3A_59] {strides = array<i32>} : memref<16x512xf32, #tpu.memory_space<vmem>>, vector<16xf32>,
      %get3A_61 = arith.constant 3 : i32
      %get3A_62 = arith.index_cast %get3A_61 : i32 to index
      %get3A_63 = arith.index_cast %mul3A_33 : i32 to index
      %get3A_64 = tpu.vector_load %arg8[%get3A_62, %get3A_63] {strides = array<i32>} : memref<16x512xf32, #tpu.memory_space<vmem>>, vector<16xf32>,
      %get3A_65 = arith.constant 4 : i32
      %get3A_66 = arith.index_cast %get3A_65 : i32 to index
      %get3A_67 = arith.index_cast %mul3A_33 : i32 to index
      %get3A_68 = tpu.vector_load %arg8[%get3A_66, %get3A_67] {strides = array<i32>} : memref<16x512xf32, #tpu.memory_space<vmem>>, vector<16xf32>,
      %get3A_69 = arith.constant 5 : i32
      %get3A_70 = arith.index_cast %get3A_69 : i32 to index
      %get3A_71 = arith.index_cast %mul3A_33 : i32 to index
      %get3A_72 = tpu.vector_load %arg8[%get3A_70, %get3A_71] {strides = array<i32>} : memref<16x512xf32, #tpu.memory_space<vmem>>, vector<16xf32>,
      %get3A_73 = arith.constant 6 : i32
      %get3A_74 = arith.index_cast %get3A_73 : i32 to index
      %get3A_75 = arith.index_cast %mul3A_33 : i32 to index
      %get3A_76 = tpu.vector_load %arg8[%get3A_74, %get3A_75] {strides = array<i32>} : memref<16x512xf32, #tpu.memory_space<vmem>>, vector<16xf32>,
      %get3A_77 = arith.constant 7 : i32
      %get3A_78 = arith.index_cast %get3A_77 : i32 to index
      %get3A_79 = arith.index_cast %mul3A_33 : i32 to index
      %get3A_80 = tpu.vector_load %arg8[%get3A_78, %get3A_79] {strides = array<i32>} : memref<16x512xf32, #tpu.memory_space<vmem>>, vector<16xf32>,
      %get3A_81 = arith.constant 8 : i32
      %get3A_82 = arith.index_cast %get3A_81 : i32 to index
      %get3A_83 = arith.index_cast %mul3A_33 : i32 to index
      %get3A_84 = tpu.vector_load %arg8[%get3A_82, %get3A_83] {strides = array<i32>} : memref<16x512xf32, #tpu.memory_space<vmem>>, vector<16xf32>,
      %get3A_85 = arith.constant 9 : i32
      %get3A_86 = arith.index_cast %get3A_85 : i32 to index
      %get3A_87 = arith.index_cast %mul3A_33 : i32 to index
      %get3A_88 = tpu.vector_load %arg8[%get3A_86, %get3A_87] {strides = array<i32>} : memref<16x512xf32, #tpu.memory_space<vmem>>, vector<16xf32>,
      %get3A_89 = arith.constant 10 : i32
      %get3A_90 = arith.index_cast %get3A_89 : i32 to index
      %get3A_91 = arith.index_cast %mul3A_33 : i32 to index
      %get3A_92 = tpu.vector_load %arg8[%get3A_90, %get3A_91] {strides = array<i32>} : memref<16x512xf32, #tpu.memory_space<vmem>>, vector<16xf32>,
      %get3A_93 = arith.constant 11 : i32
      %get3A_94 = arith.index_cast %get3A_93 : i32 to index
      %get3A_95 = arith.index_cast %mul3A_33 : i32 to index
      %get3A_96 = tpu.vector_load %arg8[%get3A_94, %get3A_95] {strides = array<i32>} : memref<16x512xf32, #tpu.memory_space<vmem>>, vector<16xf32>,
      %get3A_97 = arith.constant 12 : i32
      %get3A_98 = arith.index_cast %get3A_97 : i32 to index
      %get3A_99 = arith.index_cast %mul3A_33 : i32 to index
      %get3A_100 = tpu.vector_load %arg8[%get3A_98, %get3A_99] {strides = array<i32>} : memref<16x512xf32, #tpu.memory_space<vmem>>, vector<16xf32>,
      %get3A_101 = arith.constant 13 : i32
      %get3A_102 = arith.index_cast %get3A_101 : i32 to index
      %get3A_103 = arith.index_cast %mul3A_33 : i32 to index
      %get3A_104 = tpu.vector_load %arg8[%get3A_102, %get3A_103] {strides = array<i32>} : memref<16x512xf32, #tpu.memory_space<vmem>>, vector<16xf32>,
      %get3A_105 = arith.constant 14 : i32
      %get3A_106 = arith.index_cast %get3A_105 : i32 to index
      %get3A_107 = arith.index_cast %mul3A_33 : i32 to index
      %get3A_108 = tpu.vector_load %arg8[%get3A_106, %get3A_107] {strides = array<i32>} : memref<16x512xf32, #tpu.memory_space<vmem>>, vector<16xf32>,
      %get3A_109 = arith.constant 15 : i32
      %get3A_110 = arith.index_cast %get3A_109 : i32 to index
      %get3A_111 = arith.index_cast %mul3A_33 : i32 to index
      %get3A_112 = tpu.vector_load %arg8[%get3A_110, %get3A_111] {strides = array<i32>} : memref<16x512xf32, #tpu.memory_space<vmem>>, vector<16xf32>,
      %scan3A_113 = arith.constant 0 : i32
      %scan3A_114 = arith.constant 0 : i32
      %scan3A_115 = arith.constant 32 : i32
      %scan3A_116 = arith.addi %scan3A_114, %scan3A_115 : i32
      %scan3A_117 = arith.constant 1 : i32
      %scan3A_118 = scf.for %scan3A_121 = %scan3A_114 to %scan3A_116 step %scan3A_117 iter_args(%scan3A_122 = %scan3A_113) -> (i32)  : i32 {
        %broadcast_in_dim3A = vector.broadcast %scan3A_121 : i32 to vector<16xi32>
        %gather3A = tpu.vector_load_idx %arg6[%broadcast_in_dim3A, %get3A_36] : memref<32x1024xf32, #tpu.memory_space<vmem>>[vector<16xi32>, vector<16xi32>], vector<16xf32>,
        %gather3A_123 = tpu.vector_load_idx %arg6[%broadcast_in_dim3A, %get3A_40] : memref<32x1024xf32, #tpu.memory_space<vmem>>[vector<16xi32>, vector<16xi32>], vector<16xf32>,
        %gather3A_124 = tpu.vector_load_idx %arg6[%broadcast_in_dim3A, %get3A_44] : memref<32x1024xf32, #tpu.memory_space<vmem>>[vector<16xi32>, vector<16xi32>], vector<16xf32>,
        %gather3A_125 = tpu.vector_load_idx %arg6[%broadcast_in_dim3A, %get3A_48] : memref<32x1024xf32, #tpu.memory_space<vmem>>[vector<16xi32>, vector<16xi32>], vector<16xf32>,
        %mul3A_126 = arith.mulf %gather3A, %gather3A_123 : vector<16xf32>
        %sub3A = arith.subf %gather3A, %mul3A_126 : vector<16xf32>
        %sub3A_127 = arith.subf %gather3A_123, %mul3A_126 : vector<16xf32>
        %sub3A_128 = arith.constant 1.000000e+00 : f32
        %sub3A_129 = vector.broadcast %sub3A_128 : f32 to vector<16xf32>
        %sub3A_130 = arith.subf %sub3A_129, %gather3A : vector<16xf32>
        %sub3A_131 = arith.subf %sub3A_130, %sub3A_127 : vector<16xf32>
        %mul3A_132 = arith.mulf %gather3A_124, %gather3A_125 : vector<16xf32>
        %sub3A_133 = arith.subf %gather3A_124, %mul3A_132 : vector<16xf32>
        %sub3A_134 = arith.subf %gather3A_125, %mul3A_132 : vector<16xf32>
        %sub3A_135 = arith.constant 1.000000e+00 : f32
        %sub3A_136 = vector.broadcast %sub3A_135 : f32 to vector<16xf32>
        %sub3A_137 = arith.subf %sub3A_136, %gather3A_124 : vector<16xf32>
        %sub3A_138 = arith.subf %sub3A_137, %sub3A_134 : vector<16xf32>
        %mul3A_139 = arith.mulf %get3A_52, %sub3A_131 : vector<16xf32>
        %mul3A_140 = arith.mulf %get3A_56, %sub3A : vector<16xf32>
        %add3A_141 = arith.addf %mul3A_139, %mul3A_140 : vector<16xf32>
        %mul3A_142 = arith.mulf %get3A_60, %sub3A_127 : vector<16xf32>
        %add3A_143 = arith.addf %add3A_141, %mul3A_142 : vector<16xf32>
        %mul3A_144 = arith.mulf %get3A_64, %mul3A_126 : vector<16xf32>
        %add3A_145 = arith.addf %add3A_143, %mul3A_144 : vector<16xf32>
        %mul3A_146 = arith.mulf %get3A_68, %sub3A_131 : vector<16xf32>
        %mul3A_147 = arith.mulf %get3A_72, %sub3A : vector<16xf32>
        %add3A_148 = arith.addf %mul3A_146, %mul3A_147 : vector<16xf32>
        %mul3A_149 = arith.mulf %get3A_76, %sub3A_127 : vector<16xf32>
        %add3A_150 = arith.addf %add3A_148, %mul3A_149 : vector<16xf32>
        %mul3A_151 = arith.mulf %get3A_80, %mul3A_126 : vector<16xf32>
        %add3A_152 = arith.addf %add3A_150, %mul3A_151 : vector<16xf32>
        %mul3A_153 = arith.mulf %get3A_84, %sub3A_131 : vector<16xf32>
        %mul3A_154 = arith.mulf %get3A_88, %sub3A : vector<16xf32>
        %add3A_155 = arith.addf %mul3A_153, %mul3A_154 : vector<16xf32>
        %mul3A_156 = arith.mulf %get3A_92, %sub3A_127 : vector<16xf32>
        %add3A_157 = arith.addf %add3A_155, %mul3A_156 : vector<16xf32>
        %mul3A_158 = arith.mulf %get3A_96, %mul3A_126 : vector<16xf32>
        %add3A_159 = arith.addf %add3A_157, %mul3A_158 : vector<16xf32>
        %mul3A_160 = arith.mulf %get3A_100, %sub3A_131 : vector<16xf32>
        %mul3A_161 = arith.mulf %get3A_104, %sub3A : vector<16xf32>
        %add3A_162 = arith.addf %mul3A_160, %mul3A_161 : vector<16xf32>
        %mul3A_163 = arith.mulf %get3A_108, %sub3A_127 : vector<16xf32>
        %add3A_164 = arith.addf %add3A_162, %mul3A_163 : vector<16xf32>
        %mul3A_165 = arith.mulf %get3A_112, %mul3A_126 : vector<16xf32>
        %add3A_166 = arith.addf %add3A_164, %mul3A_165 : vector<16xf32>
        %mul3A_167 = arith.mulf %sub3A_138, %add3A_145 : vector<16xf32>
        %mul3A_168 = arith.mulf %sub3A_133, %add3A_152 : vector<16xf32>
        %add3A_169 = arith.addf %mul3A_167, %mul3A_168 : vector<16xf32>
        %mul3A_170 = arith.mulf %sub3A_134, %add3A_159 : vector<16xf32>
        %add3A_171 = arith.addf %add3A_169, %mul3A_170 : vector<16xf32>
        %mul3A_172 = arith.mulf %mul3A_132, %add3A_166 : vector<16xf32>
        %add3A_173 = arith.addf %add3A_171, %mul3A_172 : vector<16xf32>
        %swap3A = arith.index_cast %scan3A_121 : i32 to index
        %swap3A_174 = arith.index_cast %mul3A_33 : i32 to index
        %swap3A_175 = tpu.vector_load %arg9[%swap3A, %swap3A_174] {strides = array<i32>} : memref<32x512xf32, #tpu.memory_space<vmem>>, vector<16xf32>,
        tpu.vector_store %arg9[%swap3A, %swap3A_174], %add3A_173 {strides = array<i32>} : memref<32x512xf32, #tpu.memory_space<vmem>>, vector<16xf32>,
        %scan3A_176 = arith.constant 0 : i32
        scf.yield %scan3A_176 : i32
      }
      %scan3A_119 = arith.constant 32 : i32
      %scan3A_120 = arith.constant 0 : i32
      scf.yield %scan3A_120 : i32
    }
    %scan3A_29 = arith.constant 32 : i32
    "tpu.region"() ({
      %run_scoped3A = tpu.sem_alloc : memref<!tpu.dma_semaphore, #tpu.memory_space<semaphore_mem>>
      %dma_start3A = arith.constant 1536 : i32
      %dma_start3A_30 = tpu.memref_slice %arg5[%mul3A_2, %dma_start3A] : memref<1024x2048xf32, #tpu.memory_space<hbm>> -> memref<32x512xf32, #tpu.memory_space<hbm>>
      %dma_start3A_31 = arith.constant 1536 : i32
      %dma_start3A_32 = tpu.memref_slice %arg5[%mul3A_2, %dma_start3A_31] : memref<1024x2048xf32, #tpu.memory_space<hbm>> -> memref<32x512xf32, #tpu.memory_space<hbm>>
      tpu.enqueue_dma source(%arg9 : memref<32x512xf32, #tpu.memory_space<vmem>>) target(%dma_start3A_32 : memref<32x512xf32, #tpu.memory_space<hbm>>) target_semaphore(%run_scoped3A : memref<!tpu.dma_semaphore, #tpu.memory_space<semaphore_mem>>)
      %dma_wait3A = arith.constant 1536 : i32
      %dma_wait3A_33 = tpu.memref_slice %arg5[%mul3A_2, %dma_wait3A] : memref<1024x2048xf32, #tpu.memory_space<hbm>> -> memref<32x512xf32, #tpu.memory_space<hbm>>
      %dma_wait3A_34 = arith.constant 1536 : i32
      %dma_wait3A_35 = tpu.memref_slice %arg5[%mul3A_2, %dma_wait3A_34] : memref<1024x2048xf32, #tpu.memory_space<hbm>> -> memref<32x512xf32, #tpu.memory_space<hbm>>
      tpu.wait_dma2 semaphore(%run_scoped3A : memref<!tpu.dma_semaphore, #tpu.memory_space<semaphore_mem>>) src(%arg9 : memref<32x512xf32, #tpu.memory_space<vmem>>) dst(%dma_wait3A_35 : memref<32x512xf32, #tpu.memory_space<hbm>>)
      tpu.yield
    }) : () -> ()
    return
  }
}

</mosaic_0001>

<sc_bundles>
// kernel: kernel.3.cloned.1.call-start
scs
__scs_entry_jumppad:
0x0: {  	(pc) =	sbr.rel $0x88, $3  }
0x1: {  	(tag) =	ssettag $0x0;
	lr =	simm.s32 $0x1  }
0x2: {  	[smem:$0x3F9E] =	sst lr;
	_ =	strace $0xD0000000  }
0x3: {  	_ = 	snop  }
0x4: {  	_ = 	snop  }
0x5: {  	_ = 	snop  }
0x6: {  	_ = 	snop  }
0x7: {  	_ = 	snop  }
__scs_overlays_trampoline_lowered:
0x8: {  	[smem:$0x3FAD] =	sst s0  }
0x9: {  	[smem:$0x3FAE] =	sst s1  }
0xa: {  	[smem:$0x3FAF] =	sst s2  }
0xb: {  	[smem:$0x3FB0] =	sst s3  }
0xc: {  	[smem:$0x3FB1] =	sst s4  }
0xd: {  	[smem:$0x3FB2] =	sst s5  }
0xe: {  	[smem:$0x3FB3] =	sst s6  }
0xf: {  	[smem:$0x3FB4] =	sst s7  }
0x10: {  	[smem:$0x3FB5] =	sst s8  }
0x11: {  	[smem:$0x3FB6] =	sst s9;
	s0 =	simm.s32 @!p0 $0x0  }
0x12: {  	s1 =	sld [smem:$0x3F9C];
	s0 =	simm.s32 @p0 $0x1  }
0x13: {  	[smem:$0x3FB7] =	sst s0;
	s0 =	simm.s32 @!p1 $0x0  }
0x14: {  	s2 =	sld [smem:$0x3F9B];
	s0 =	simm.s32 @p1 $0x1  }
0x15: {  	[smem:$0x3FB8] =	sst s0;
	s0 =	simm.s32 @!p2 $0x0  }
0x16: {  	s3 =	sld [smem:$0x3FDB];
	s0 =	simm.s32 @p2 $0x1  }
0x17: {  	s4 =	simm.s32 $0x1BF5;
	[smem:$0x3FBA] =	sst s0  }
0x18: {  	s0 =	sld [smem:$0x3F9D];
	_ =	swait.ge [sflag:s4], $0x0  }
0x19: {  	s7 =	sld [smem:$0x3F9E]  }
0x1a: {  	s8 =	sadd.s32 $0xFFFFE003, lr  }
0x1b: {  	s9 =	sadd.s32 $0xFFFFFEF7, lr;
	s5 =	simm.s32 $0xFFFFFFFF;
	p2 =	slt.u32 s8, $0xFFFFF086  }
0x1c: {  	p1 =	slt.u32 s9, $0xF7A;
	s5 =	simm.s32 @!p2 $0x0  }
0x1d: {  	s5 =	simm.s32 @p1 $0x1;
	p0 =	seq.s32 s7, s2  }
0x1e: {  	s7 =	smul.u32 @!p0 $0xF7A, s2;
	p2 =	seq.s32 @!p0 s5, $0x0  }
0x1f: {  	s9 =	smul.u32 $0xF7A, s1;
	s8 =	simm.s32 @!p0 $0x1BF5;
	p2 =	por !p2, p0  }
0x20: {  	[sflag:s8] =	ssyncset.s32 @!p0 $0xFFFFF086;
	s6 =	sadd.s32 @!p0 s3, s7;
	s7 =	simm.s32 @!p0 $0x108  }
0x21: {  	s3 =	sadd.s32 s3, s9;
	s6 =	sadd.s32 @!p0 $0x88, s6;
	s7 =	simm.s32 @p2 $0x1082  }
0x22: {  	[simem:s7], [sflag:s8] =	dma.local @!p0 [hbm:s6], $0xF7A  }
0x23: {  	s9 =	sor.u32 $0xD0000000, s2;
	s6 =	simm.s32 $0x108;
	_ =	swait.ge @!p0 [sflag:s8], $0x0  }
0x24: {  	s3 =	sadd.s32 $0x88, s3;
	s6 =	simm.s32 @!p1 $0x1082;
	[sflag:s4] =	ssyncset.s32 $0xFFFFF086  }
0x25: {  	[simem:s6], [sflag:s4] =	dma.local [hbm:s3], $0xF7A  }
0x26: {  	[smem:$0x3F9E] =	sst s1;
	(tag) =	ssettag s2;
	_ =	strace s9  }
0x27: {  	s1 =	sld [smem:$0x3FAE]  }
0x28: {  	s2 =	sld [smem:$0x3FAF]  }
0x29: {  	s4 =	sld [smem:$0x3FB1]  }
0x2a: {  	p0 =	seq.s32 s5, $0x0;
	s5 =	sld [smem:$0x3FB2]  }
0x2b: {  	s6 =	sld [smem:$0x3FB3]  }
0x2c: {  	s7 =	sld [smem:$0x3FB4]  }
0x2d: {  	s3 =	simm.s32 $0x108;
	s8 =	sld [smem:$0x3FB5]  }
0x2e: {  	s3 =	simm.s32 @!p0 $0x1082;
	s9 =	sld [smem:$0x3FB6]  }
0x2f: {  	lr =	sadd.s32 s0, s3;
	s0 =	sld [smem:$0x3FAD]  }
0x30: {  	s3 =	sld [smem:$0x3FB0]  }
0x31: {  	[smem:$0x3FB9] =	sst s10  }
0x32: {  	s10 =	sld [smem:$0x3FB7];
	_ =	sdelay $0x3  }
0x33: {  	p0 =	seq.s32 s10, $0x1;
	s10 =	sld [smem:$0x3FB9];
	_ =	sdelay $0x3  }
0x34: {  	[smem:$0x3FB9] =	sst s10  }
0x35: {  	s10 =	sld [smem:$0x3FB8];
	_ =	sdelay $0x3  }
0x36: {  	p1 =	seq.s32 s10, $0x1;
	s10 =	sld [smem:$0x3FB9];
	_ =	sdelay $0x3  }
0x37: {  	[smem:$0x3FB9] =	sst s10  }
0x38: {  	s10 =	sld [smem:$0x3FBA]  }
0x39: {  	_ = 	snop;
	(pc) =	sbr.ind lr, $3  }
0x3a: {  	_ = 	snop  }
0x3b: {  	_ = 	snop  }
0x3c: {  	p2 =	seq.s32 s10, $0x1;
	s10 =	sld [smem:$0x3FB9]  }
0x3d: {  	_ =	shalt  }
0x3e: {  	_ =	shalt  }
0x3f: {  	_ =	shalt  }
0x40: {  	_ =	shalt  }
0x41: {  	_ =	shalt  }
0x42: {  	_ =	shalt  }
0x43: {  	_ =	shalt  }
0x44: {  	_ =	shalt  }
0x45: {  	_ =	shalt  }
0x46: {  	_ =	shalt  }
0x47: {  	_ =	shalt  }
0x48: {  	_ =	shalt  }
0x49: {  	_ =	shalt  }
0x4a: {  	_ =	shalt  }
0x4b: {  	_ =	shalt  }
0x4c: {  	_ =	shalt  }
0x4d: {  	_ =	shalt  }
0x4e: {  	_ =	shalt  }
0x4f: {  	_ =	shalt  }
0x50: {  	_ =	shalt  }
0x51: {  	_ =	shalt  }
0x52: {  	_ =	shalt  }
0x53: {  	_ =	shalt  }
0x54: {  	_ =	shalt  }
0x55: {  	_ =	shalt  }
0x56: {  	_ =	shalt  }
0x57: {  	_ =	shalt  }
0x58: {  	_ =	shalt  }
0x59: {  	_ =	shalt  }
0x5a: {  	_ =	shalt  }
0x5b: {  	_ =	shalt  }
0x5c: {  	_ =	shalt  }
0x5d: {  	_ =	shalt  }
0x5e: {  	_ =	shalt  }
0x5f: {  	_ =	shalt  }
0x60: {  	_ =	shalt  }
0x61: {  	_ =	shalt  }
0x62: {  	_ =	shalt  }
0x63: {  	_ =	shalt  }
0x64: {  	_ =	shalt  }
0x65: {  	_ =	shalt  }
0x66: {  	_ =	shalt  }
0x67: {  	_ =	shalt  }
0x68: {  	_ =	shalt  }
0x69: {  	_ =	shalt  }
0x6a: {  	_ =	shalt  }
0x6b: {  	_ =	shalt  }
0x6c: {  	_ =	shalt  }
0x6d: {  	_ =	shalt  }
0x6e: {  	_ =	shalt  }
0x6f: {  	_ =	shalt  }
0x70: {  	_ =	shalt  }
0x71: {  	_ =	shalt  }
0x72: {  	_ =	shalt  }
0x73: {  	_ =	shalt  }
0x74: {  	_ =	shalt  }
0x75: {  	_ =	shalt  }
0x76: {  	_ =	shalt  }
0x77: {  	_ =	shalt  }
0x78: {  	_ =	shalt  }
0x79: {  	_ =	shalt  }
0x7a: {  	_ =	shalt  }
0x7b: {  	_ =	shalt  }
0x7c: {  	_ =	shalt  }
0x7d: {  	_ =	shalt  }
0x7e: {  	_ =	shalt  }
0x7f: {  	_ =	shalt  }
0x80: {  	_ =	shalt  }
0x81: {  	_ =	shalt  }
0x82: {  	_ =	shalt  }
0x83: {  	_ =	shalt  }
0x84: {  	_ =	shalt  }
0x85: {  	_ =	shalt  }
0x86: {  	_ =	shalt  }
0x87: {  	_ =	shalt  }
.Lfunc_end0:
.L_simem_size_0:
called_computation_lowered:
.L_overlay_start_0:
0x88: {  	s2 =	sld [smem:$0x3FD9]  }
0x89: {  	s3 =	sld [smem:$0x3FFE];
	_ =	sdelay $0x1  }
0x8a: {  	s1 =	srdreg.scid  }
0x8b: {  	s0 =	sand.u32 $0x1, s1  }
0x8c: {  	s18 =	sshll.u32 s0, $0xA;
	s2 =	sadd.s32 s3, s2  }
0x8d: {  	s2 =	sadd.s32 s2, s18  }
0x8e: {  	[smem:$0x3FC5] =	sst s2  }
0x8f: {  	_ = 	snop  }
0x90: {  	s2 =	sld [smem:$0x3FC9]  }
0x91: {  	s19 =	sld [smem:$0x3FC8]  }
0x92: {  	s4 =	sld [smem:$0x3FC7]  }
0x93: {  	s5 =	sld [smem:$0x3FD0];
	(tm) =	ssettm $0x1  }
0x94: {  	s6 =	sld [smem:$0x3FFB];
	_ =	sdelay $0x3  }
0x95: {  	_ =	strace s6  }
0x96: {  	s6 =	sld [smem:$0x3FFC];
	_ =	sdelay $0x3  }
0x97: {  	_ =	strace s6  }
0x98: {  	s6 =	sld [smem:$0x3FFD];
	_ =	sdelay $0x3  }
0x99: {  	_ =	strace s6  }
0x9a: {  	_ =	strace $0x8FFFFFFF  }
0x9b: {  	s20 =	sld [smem:$0x3FDB];
	_ =	sdelay $0x1  }
0x9c: {  	s7 =	simm.s32 $_scs_section_size  }
0x9d: {  	s8 =	simm.s32 $_size__tile_overlayer_lowered;
	s9 =	simm.s32 $_tile_overlayer_lowered  }
0x9e: {  	s23 =	simm.s32 $0x1BFF;
	s22 =	sshll.u32 s9, $0x1;
	s6 =	sadd.s32 s7, s20  }
0x9f: {  	s10 =	simm.s32 $0x0;
	s21 =	sshll.u32 s8, $0x1;
	s8 =	sadd.s32 s22, s6  }
0xa0: {  	[timem:s10], [sflag:s23] =	dma.local [hbm:s8], s21  }
0xa1: {  	_ =	swait.ge [sflag:s23], s21  }
0xa2: {  	s7 =	ssub.s32 $0x0, s21;
	[sflag:s23] =	ssyncset.done $0x0  }
0xa3: {  	[sflag:s23] =	ssyncadd.s32 s7;
	_ =	sdelay $0x1  }
0xa4: {  	s24 =	simm.s32 $0x1B8B  }
0xa5: {  	_ =	swait.ge [sflag:s24], $0x1  }
0xa6: {  	[sflag:s24] =	ssyncset.done $0x0  }
0xa7: {  	s25 =	simm.s32 $0x1B8E;
	[sflag:s24] =	ssyncadd.s32 $0xFFFFFFFF  }
0xa8: {  	s26 =	simm.s32 $execute0_lowered;
	[smem:$0x3FD2] =	sst s25  }
0xa9: {  	s7 =	sshll.u32 s26, $0x1;
	_ =	strace $0x80000046;
	[dreg:$0x1] =	wrdreg $0xFFFFFFFF  }
0xaa: {  	s28 =	simm.s32 $_size_execute0_lowered;
	s6 =	sadd.s32 s6, s7;
	[dreg:$0x0] =	wrdreg $0x0  }
0xab: {  	s7 =	sshll.u32 s28, $0x1;
	[dreg:$0x2] =	wrdreg s6  }
0xac: {  	[dreg:$0x3] =	wrdreg s7  }
0xad: {  	[dreg:$0x4] =	wrdreg $0xC0  }
0xae: {  	_ =	task [dreg:s10], $0x5FFFF  }
0xaf: {  	[dreg:$0x1] =	wrdreg $0xFFFFFFFF  }
0xb0: {  	[dreg:$0x0] =	wrdreg $0x60  }
0xb1: {  	[dreg:$0x2] =	wrdreg s2  }
0xb2: {  	[dreg:$0x3] =	wrdreg s19  }
0xb3: {  	[dreg:$0x4] =	wrdreg s4  }
0xb4: {  	[dreg:$0x5] =	wrdreg s5  }
0xb5: {  	[dreg:$0x6] =	wrdreg $0x9  }
0xb6: {  	_ =	task.clear_ibuf [dreg:s10], $0x7FFFF;
	_ =	strace $0x90000046  }
0xb7: {  	s29 =	simm.s32 $0x9;
	_ =	strace $0x80000048  }
0xb8: {  	_ =	swait.ge [sflag:s29], $0x1  }
0xb9: {  	[sflag:s29] =	ssyncadd.s32 $0xFFFFFFFF  }
0xba: {  	_ =	strace $0x90000048  }
0xbb: {  	_ =	sfence  }
0xbc: {  	s30 =	sld [smem:$0x0];
	_ =	sdelay $0x2  }
0xbd: {  	s31 =	sshll.u32 s1, $0xD;
	s1 =	sshrl.u32 s1, $0x2  }
0xbe: {  	s3 =	sand.u32 $0x4000, s31;
	s1 =	sadd.s32 s1, s30  }
0xbf: {  	s0 =	sor.u32 s3, s0;
	s1 =	sshll.u32 s1, $0x11  }
0xc0: {  	s0 =	sor.u32 s1, s0  }
0xc1: {  	s0 =	sadd.s32 $0x8F2B, s0  }
0xc2: {  	[sflag:s0] =	ssyncadd.remote.s32 $0x1  }
0xc3: {  	_ =	sfence.sel $0xFFFF  }
0xc4: {  	[dreg:$0x0] =	wrdreg $0xFFFFFFFF;
	(pc) =	sbr.abs _section_cstart, $3  }
0xc5: {  	[dreg:$0x1] =	wrdreg $0xFFFFFFFF  }
0xc6: {  	_ =	task.clear_ibuf [dreg:s10], $0x2FFFF;
	_ =	strace $0x9FFFFFFF  }
0xc7: {  	(tm) =	ssettm $0x7FFFFFFF  }
tec
execute0_lowered:
.L_overlay_start_1:
0x0: {  	(tag) =	ssettag $0x1  }
0x1: {  	s5 =	rddreg [dreg:$0x0]  }
0x2: {  	s1 =	rddreg [dreg:$0x1]  }
0x3: {  	s3 =	rddreg [dreg:$0x2]  }
0x4: {  	s6 =	rddreg [dreg:$0x3]  }
0x5: {  	s4 =	srdreg.scid;
	s2 =	stileid.u32;
	s17 =	simm.s32 $0x1  }
0x6: {  	s18 =	simm.s32 $0x8000;
	s19 =	simm.s32 $0x1000;
	s20 =	simm.s32 $0x4000  }
0x7: {  	s21 =	simm.s32 $0x8800;
	s22 =	simm.s32 $0xA800;
	s23 =	simm.s32 $0x0  }
0x8: {  	s7 =	sand.u32 $0x1, s4;
	s4 =	simm.s32 $0x0;
	s8 =	sshll.u32 s2, $0x6  }
0x9: {  	s11 =	sadd.s32 $0x400, s3;
	s13 =	sadd.s32 $0x300, s1;
	s14 =	sadd.s32 $0x600, s3  }
0xa: {  	s9 =	sshll.u32 s7, $0x5;
	[smem:$0x7FF] =	sst s4;
	s7 =	ssub.s32 $0x2, s7  }
0xb: {  	s8 =	sor.u32 s9, s8;
	_ =	strace $0x80000047;
	s30 =	sshrl.u32 s7, $0x1  }
0xc: {  	s10 =	sshll.u32 s8, $0x7;
	s16 =	ssub.s32 s7, s30;
	s31 =	sshll.u32 s8, $0x8  }
0xd: {  	s7 =	sadd.s32 $0x100, s1;
	s8 =	sadd.s32 $0x200, s3;
	s5 =	sadd.s32 s5, s10  }
0xe: {  	s6 =	sadd.s32 s6, s31;
	s10 =	sadd.s32 $0x200, s1;
	s16 =	smax.u32 s16, $0x1  }
0xf: {  	s9 =	sadd.s32 $0x200, s6;
	s12 =	sadd.s32 $0x400, s6;
	s15 =	sadd.s32 $0x600, s6  }
.LBB2_1:
0x10: {  	[tilespmem:s4], [sflag:$0x1] =	stream.linear.gather [hbm4b:s5+s4], $0x8000, $0x38;
	[tilespmem:$0xE800] =	vst v63  }
0x11: {  	_ =	swait.ge [sflag:s17], $0x8000  }
0x12: {  	[sflag:s17] =	ssyncset.done $0x0  }
0x13: {  	[sflag:s17] =	ssyncadd.s32 $0xFFFF8000  }
0x14: {  	[tilespmem:s18], [sflag:$0x1] =	stream.linear.gather [hbm4b:s1+s4], $0x800, $0x38;
	[tilespmem:$0xE800] =	vst v63  }
0x15: {  	_ =	swait.ge [sflag:s17], $0x800  }
0x16: {  	[sflag:s17] =	ssyncset.done $0x0  }
0x17: {  	[sflag:s17] =	ssyncadd.s32 $0xFFFFF800  }
0x18: {  	[tilespmem:s21], [sflag:$0x1] =	stream.strided.gather [hbm4b:s3+s19], $0x2000, s20, s19, $0x38;
	[tilespmem:$0xE800] =	vst v63  }
0x19: {  	_ =	swait.ge [sflag:s17], $0x2000  }
0x1a: {  	[sflag:s17] =	ssyncset.done $0x0  }
0x1b: {  	s24 =	simm.s32 $0x0;
	[sflag:s17] =	ssyncadd.s32 $0xFFFFE000  }
.LBB2_2:
0x1c: {  	s25 =	sshll.u32 s24, $0x4;
	s28 =	sshll.u32 s24, $0x6  }
0x1d: {  	s26 =	sand.u32 $0x70, s25;
	s31 =	sand.u32 $0x3FFFFE00, s28  }
0x1e: {  	s25 =	sor.u32 s26, s31  }
0x1f: {  	v0 =	vld [tilespmem:s25+$0x8000]  }
0x20: {  	v1 =	vld [tilespmem:s25+$0x8080];
	_ =	sdelay $0x1  }
0x21: {  	v2 =	vld [tilespmem:s25+$0x8100];
	_ =	sdelay $0x1  }
0x22: {  	v3 =	vshll.u32 v0, $0x3  }
0x23: {  	v4 =	vld [tilespmem:s25+$0x8180];
	v0 =	vand.u32 $0x7F, v0;
	v6 =	vshll.u32 v1, $0x3;
	v3 =	vand.u32 $0xFFFFFC00, v3  }
0x24: {  	s25 =	simm.s32 $0x0;
	v5 =	vor.u32 v0, v3;
	v0 =	vand.u32 $0x7F, v1;
	v1 =	vand.u32 $0xFFFFFC00, v6  }
0x25: {  	v9 =	vor.u32 v0, v1;
	v0 =	vshll.u32 v2, $0x3;
	v1 =	vmov s25  }
0x26: {  	s28 =	sshll.u32 s24, $0x7;
	v2 =	vand.u32 $0x7F, v2;
	v0 =	vand.u32 $0xFFFFFC00, v0;
	v3 =	vshll.u32 v1, $0xA  }
0x27: {  	s28 =	sand.u32 $0xFFFFFC00, s28;
	v12 =	vor.u32 v2, v0;
	v2 =	vand.u32 $0x6000, v3;
	v0 =	vshll.u32 v1, $0x7  }
0x28: {  	s29 =	sor.u32 s26, s28;
	v6 =	vand.u32 $0x7F, v4;
	v7 =	vand.u32 $0x380, v0;
	v1 =	vadd.s32 v9, v2  }
0x29: {  	v15 =	vld [tilespmem:s29+$0x9900];
	v3 =	vshll.u32 v4, $0x3;
	v4 =	vadd.s32 v5, v2;
	v8 =	vor.u32 v7, v1  }
0x2a: {  	v0 =	vld [tilespmem:s29+$0x8800];
	v10 =	vand.u32 $0xFFFFFC00, v3;
	v11 =	vadd.s32 v12, v2;
	v4 =	vor.u32 v7, v4  }
0x2b: {  	v3 =	vld [tilespmem:s29+$0x8900];
	v19 =	vor.u32 v6, v10;
	v10 =	vor.u32 v7, v11  }
0x2c: {  	v1 =	vld [tilespmem:s29+$0x8880];
	v11 =	vadd.s32 v19, v2  }
0x2d: {  	v6 =	vld [tilespmem:s29+$0x8980];
	v11 =	vor.u32 v7, v11  }
0x2e: {  	v13 =	vld.idx.msk [tilespmem:v8+s4+$0x0], $0xffff  }
0x2f: {  	v14 =	vld.idx.msk [tilespmem:v4+s4+$0x0], $0xffff  }
0x30: {  	v17 =	vld.idx.msk [tilespmem:v10+s4+$0x0], $0xffff  }
0x31: {  	v2 =	vld [tilespmem:s29+$0x8A00]  }
0x32: {  	v16 =	vld.idx.msk [tilespmem:v11+s4+$0x0], $0xffff  }
0x33: {  	v7 =	vld [tilespmem:s29+$0x8A80]  }
0x34: {  	v4 =	vld [tilespmem:s29+$0x8B00];
	v20 =	vmul.f32 v13, v14  }
0x35: {  	s30 =	simm.s32 $0x1;
	v8 =	vld [tilespmem:s29+$0x9800];
	v18 =	vsub.f32 $1.000000000e+00, v17  }
0x36: {  	v21 =	vmov s30;
	v11 =	vld [tilespmem:s29+$0x9880];
	v23 =	vsub.f32 $1.000000000e+00, v14;
	v22 =	vsub.f32 v13, v20  }
0x37: {  	v10 =	vld [tilespmem:s29+$0x9A00];
	v24 =	vsub.f32 v14, v20;
	v25 =	vmul.f32 v16, v17;
	v26 =	vmul.f32 v20, v6  }
0x38: {  	v13 =	vld [tilespmem:s29+$0x9A80];
	v23 =	vsub.f32 v23, v22;
	v27 =	vmul.f32 v22, v3;
	v28 =	vmul.f32 v22, v15  }
0x39: {  	v14 =	vld [tilespmem:s29+$0x8B80];
	v29 =	vsub.f32 v16, v25;
	v30 =	vmul.f32 v24, v1;
	v31 =	vmul.f32 v24, v7  }
0x3a: {  	v16 =	vld [tilespmem:s29+$0x9B00];
	v32 =	vsub.f32 v17, v25;
	v33 =	vmul.f32 v23, v0;
	v34 =	vmul.f32 v23, v2  }
0x3b: {  	v17 =	vld [tilespmem:s29+$0x9980];
	v37 =	vmul.f32 v24, v11;
	v35 =	vsub.f32 v18, v29;
	v36 =	vmul.f32 v23, v8  }
0x3c: {  	v50 =	vmul.f32 v22, v4;
	v18 =	vld [tilespmem:s29+$0x9B80];
	v30 =	vadd.f32 v33, v30;
	v31 =	vadd.f32 v34, v31  }
0x3d: {  	v23 =	vmul.f32 v23, v10;
	v24 =	vmul.f32 v24, v13;
	v51 =	vadd.f32 v36, v37  }
0x3e: {  	v27 =	vadd.f32 v30, v27;
	v30 =	vadd.f32 v31, v50;
	v31 =	vmul.f32 v20, v14  }
0x3f: {  	v23 =	vadd.f32 v23, v24;
	v22 =	vmul.f32 v22, v16;
	v28 =	vadd.f32 v51, v28  }
0x40: {  	v24 =	vadd.f32 v27, v26;
	v26 =	vadd.f32 v30, v31;
	v27 =	vmul.f32 v20, v17  }
0x41: {  	v22 =	vadd.f32 v23, v22;
	v23 =	vmul.f32 v20, v18;
	v30 =	vshll.u32 v21, $0xA  }
0x42: {  	v27 =	vadd.f32 v28, v27;
	v24 =	vmul.f32 v24, v35;
	v26 =	vmul.f32 v26, v32  }
0x43: {  	v20 =	vmov s26;
	v21 =	vshll.u32 v21, $0x7;
	v22 =	vadd.f32 v22, v23  }
0x44: {  	v28 =	vand.u32 $0x6000, v30;
	v23 =	vadd.f32 v26, v24;
	v24 =	vmul.f32 v27, v29  }
0x45: {  	v21 =	vand.u32 $0x380, v21;
	v22 =	vmul.f32 v22, v25;
	v27 =	vadd.s32 v9, v28  }
0x46: {  	v26 =	vadd.s32 v5, v28;
	v27 =	vor.u32 v21, v27;
	v23 =	vadd.f32 v23, v24  }
0x47: {  	s26 =	sadd.s32 $0xA800, s28;
	s28 =	sand.u32 $0x3000, s25;
	v24 =	vor.u32 v21, v26  }
0x48: {  	s29 =	sand.u32 $0x380, s25;
	s28 =	sadd.s32 s28, s26;
	v22 =	vadd.f32 v23, v22  }
0x49: {  	s28 =	sadd.s32 s29, s28;
	v25 =	vadd.s32 v12, v28  }
0x4a: {  	v25 =	vor.u32 v21, v25;
	v23 =	vadd.s32 v19, v28;
	[tilespmem:v20+s28+$0x0 ss:$0x1] =	vst.idx.msk $0xffff, v22  }
0x4b: {  	v21 =	vor.u32 v21, v23;
	v22 =	vld.idx.msk [tilespmem:v27+s4+$0x0], $0xffff  }
0x4c: {  	v23 =	vld.idx.msk [tilespmem:v24+s4+$0x0], $0xffff;
	_ =	sdelay $0x2  }
0x4d: {  	v24 =	vld.idx.msk [tilespmem:v25+s4+$0x0], $0xffff  }
0x4e: {  	v25 =	vld.idx.msk [tilespmem:v21+s4+$0x0], $0xffff  }
0x4f: {  	v26 =	vmul.f32 v22, v23;
	_ =	sdelay $0x1  }
0x50: {  	v28 =	vsub.f32 v22, v26  }
0x51: {  	v22 =	vsub.f32 $1.000000000e+00, v23;
	v23 =	vsub.f32 v23, v26;
	v30 =	vmul.f32 v26, v6  }
0x52: {  	v27 =	vsub.f32 $1.000000000e+00, v24;
	v21 =	vmul.f32 v25, v24;
	v52 =	vmul.f32 v28, v3  }
0x53: {  	v31 =	vsub.f32 v22, v28;
	v53 =	vmul.f32 v23, v7;
	v57 =	vmul.f32 v23, v11  }
0x54: {  	v58 =	vmul.f32 v28, v4;
	v22 =	vsub.f32 v25, v21;
	v25 =	vmul.f32 v23, v1  }
0x55: {  	s28 =	simm.s32 $0x2;
	v54 =	vsub.f32 v24, v21;
	v24 =	vmul.f32 v31, v0;
	v55 =	vmul.f32 v31, v2  }
0x56: {  	v29 =	vmov s28;
	v60 =	vmul.f32 v28, v15;
	v56 =	vmul.f32 v31, v8  }
0x57: {  	v23 =	vmul.f32 v23, v13;
	v24 =	vadd.f32 v24, v25;
	v25 =	vadd.f32 v55, v53  }
0x58: {  	v31 =	vmul.f32 v31, v10;
	v27 =	vsub.f32 v27, v22;
	v59 =	vadd.f32 v56, v57  }
0x59: {  	v61 =	vmul.f32 v26, v14;
	v24 =	vadd.f32 v24, v52;
	v25 =	vadd.f32 v25, v58  }
0x5a: {  	v28 =	vmul.f32 v28, v16;
	v23 =	vadd.f32 v31, v23;
	v31 =	vadd.f32 v59, v60  }
0x5b: {  	v62 =	vmul.f32 v26, v17;
	v30 =	vadd.f32 v24, v30;
	v32 =	vadd.f32 v25, v61  }
0x5c: {  	v63 =	vshll.u32 v29, $0xA;
	v26 =	vmul.f32 v26, v18;
	v24 =	vadd.f32 v23, v28  }
0x5d: {  	v25 =	vadd.f32 v31, v62;
	v27 =	vmul.f32 v30, v27;
	v28 =	vmul.f32 v32, v54  }
0x5e: {  	s29 =	simm.s32 $0x3;
	s28 =	simm.s32 $0x0;
	v29 =	vshll.u32 v29, $0x7;
	v23 =	vand.u32 $0x6000, v63  }
.LBB2_3:
0x5f: {  	p0 =	sne.s32 s29, $0x1F;
	v24 =	vadd.f32 v24, v26;
	v26 =	vadd.f32 v28, v27;
	v22 =	vmul.f32 v25, v22  }
0x60: {  	v25 =	vand.u32 $0x380, v29;
	v27 =	vadd.s32 v5, v23;
	v28 =	vadd.s32 v9, v23  }
0x61: {  	s25 =	sadd.s32 $0x200, s25;
	v28 =	vor.u32 v25, v28;
	v22 =	vadd.f32 v26, v22;
	v21 =	vmul.f32 v24, v21  }
0x62: {  	s28 =	sadd.s32 $0x80, s28;
	s30 =	sand.u32 $0x3000, s25;
	v24 =	vor.u32 v25, v27;
	v26 =	vadd.s32 v12, v23  }
0x63: {  	s31 =	sand.u32 $0x380, s28;
	s30 =	sadd.s32 s30, s26;
	v26 =	vor.u32 v25, v26;
	v21 =	vadd.f32 v22, v21  }
0x64: {  	s30 =	sadd.s32 s31, s30;
	v22 =	vadd.s32 v19, v23  }
0x65: {  	v22 =	vor.u32 v25, v22;
	[tilespmem:v20+s30+$0x0 ss:$0x1] =	vst.idx.msk $0xffff, v21  }
0x66: {  	v21 =	vld.idx.msk [tilespmem:v28+s4+$0x0], $0xffff  }
0x67: {  	v23 =	vld.idx.msk [tilespmem:v24+s4+$0x0], $0xffff  }
0x68: {  	v24 =	vld.idx.msk [tilespmem:v26+s4+$0x0], $0xffff;
	_ =	sdelay $0x1  }
0x69: {  	v22 =	vld.idx.msk [tilespmem:v22+s4+$0x0], $0xffff;
	_ =	sdelay $0x2  }
0x6a: {  	v25 =	vmul.f32 v21, v23  }
0x6b: {  	v26 =	vsub.f32 $1.000000000e+00, v24  }
0x6c: {  	v29 =	vmov s29;
	v28 =	vsub.f32 $1.000000000e+00, v23;
	v27 =	vsub.f32 v21, v25  }
0x6d: {  	v23 =	vsub.f32 v23, v25;
	v30 =	vmul.f32 v25, v6;
	v21 =	vmul.f32 v22, v24  }
0x6e: {  	v28 =	vsub.f32 v28, v27;
	v31 =	vmul.f32 v27, v3;
	v32 =	vmul.f32 v27, v15  }
0x6f: {  	v33 =	vmul.f32 v23, v1;
	v34 =	vmul.f32 v23, v7;
	v22 =	vsub.f32 v22, v21  }
0x70: {  	v35 =	vsub.f32 v24, v21;
	v24 =	vmul.f32 v28, v0;
	v36 =	vmul.f32 v28, v2  }
0x71: {  	v38 =	vmul.f32 v23, v11;
	v37 =	vsub.f32 v26, v22;
	v26 =	vmul.f32 v28, v8  }
0x72: {  	v24 =	vadd.f32 v24, v33;
	v33 =	vadd.f32 v36, v34;
	v34 =	vmul.f32 v27, v4  }
0x73: {  	v23 =	vmul.f32 v23, v13;
	v28 =	vmul.f32 v28, v10;
	v26 =	vadd.f32 v26, v38  }
0x74: {  	v24 =	vadd.f32 v24, v31;
	v31 =	vadd.f32 v33, v34;
	v33 =	vmul.f32 v25, v14  }
.Ltmp0:
0x75: {  	v23 =	vadd.f32 v28, v23;
	v32 =	vadd.f32 v26, v32;
	v26 =	vmul.f32 v27, v16;
	(pc) =	sbr.rel @p0 .LBB2_3-.Ltmp0, $4  }
0x76: {  	v27 =	vadd.f32 v24, v30;
	v28 =	vadd.f32 v31, v33;
	v30 =	vmul.f32 v25, v17  }
0x77: {  	v31 =	vshll.u32 v29, $0xA;
	v24 =	vadd.f32 v23, v26;
	v26 =	vmul.f32 v25, v18  }
0x78: {  	v25 =	vadd.f32 v32, v30;
	v27 =	vmul.f32 v27, v37;
	v28 =	vmul.f32 v28, v35  }
0x79: {  	s29 =	sadd.s32 $0x1, s29;
	v29 =	vshll.u32 v29, $0x7;
	v23 =	vand.u32 $0x6000, v31  }
0x7a: {  	v24 =	vadd.f32 v24, v26;
	v45 =	vadd.f32 v28, v27;
	v22 =	vmul.f32 v25, v22  }
0x7b: {  	v46 =	vand.u32 $0x380, v29;
	v5 =	vadd.s32 v5, v23;
	v9 =	vadd.s32 v9, v23  }
0x7c: {  	s25 =	sadd.s32 $0x200, s25;
	v9 =	vor.u32 v46, v9;
	v22 =	vadd.f32 v45, v22;
	v21 =	vmul.f32 v24, v21  }
0x7d: {  	v12 =	vadd.s32 v12, v23;
	s28 =	sadd.s32 $0x80, s28;
	v5 =	vor.u32 v46, v5;
	s29 =	sand.u32 $0x3000, s25  }
0x7e: {  	v12 =	vor.u32 v46, v12;
	s30 =	sand.u32 $0x380, s28;
	s29 =	sadd.s32 s29, s26;
	v21 =	vadd.f32 v22, v21  }
0x7f: {  	v19 =	vadd.s32 v19, v23;
	s29 =	sadd.s32 s30, s29  }
0x80: {  	v19 =	vor.u32 v46, v19;
	[tilespmem:v20+s29+$0x0 ss:$0x1] =	vst.idx.msk $0xffff, v21  }
0x81: {  	v9 =	vld.idx.msk [tilespmem:v9+s4+$0x0], $0xffff  }
0x82: {  	v5 =	vld.idx.msk [tilespmem:v5+s4+$0x0], $0xffff  }
0x83: {  	v12 =	vld.idx.msk [tilespmem:v12+s4+$0x0], $0xffff;
	_ =	sdelay $0x1  }
0x84: {  	v19 =	vld.idx.msk [tilespmem:v19+s4+$0x0], $0xffff;
	_ =	sdelay $0x1  }
0x85: {  	v47 =	vmul.f32 v9, v5  }
0x86: {  	v48 =	vsub.f32 $1.000000000e+00, v12  }
0x87: {  	v49 =	vsub.f32 $1.000000000e+00, v5;
	v9 =	vsub.f32 v9, v47  }
0x88: {  	v50 =	vmul.f32 v19, v12;
	v5 =	vsub.f32 v5, v47;
	v6 =	vmul.f32 v47, v6  }
0x89: {  	v23 =	vsub.f32 v49, v9;
	v3 =	vmul.f32 v9, v3;
	v15 =	vmul.f32 v9, v15  }
0x8a: {  	v19 =	vsub.f32 v19, v50;
	v1 =	vmul.f32 v5, v1;
	v7 =	vmul.f32 v5, v7  }
0x8b: {  	v12 =	vsub.f32 v12, v50;
	v0 =	vmul.f32 v23, v0;
	v2 =	vmul.f32 v23, v2  }
0x8c: {  	v22 =	vsub.f32 v48, v19;
	v11 =	vmul.f32 v5, v11;
	v8 =	vmul.f32 v23, v8  }
0x8d: {  	v52 =	vmul.f32 v9, v4;
	v0 =	vadd.f32 v0, v1;
	v51 =	vadd.f32 v2, v7  }
0x8e: {  	v5 =	vmul.f32 v5, v13;
	v54 =	vmul.f32 v23, v10;
	v53 =	vadd.f32 v8, v11  }
0x8f: {  	v55 =	vmul.f32 v47, v14;
	v0 =	vadd.f32 v0, v3;
	v1 =	vadd.f32 v51, v52  }
0x90: {  	v58 =	vmul.f32 v9, v16;
	v57 =	vadd.f32 v54, v5;
	v56 =	vadd.f32 v53, v15  }
0x91: {  	v59 =	vmul.f32 v47, v17;
	v0 =	vadd.f32 v0, v6;
	v1 =	vadd.f32 v1, v55  }
0x92: {  	v60 =	vmul.f32 v47, v18;
	v4 =	vadd.f32 v57, v58  }
0x93: {  	v2 =	vadd.f32 v56, v59;
	v0 =	vmul.f32 v0, v22;
	v1 =	vmul.f32 v1, v12;
	_ =	sdelay $0x1  }
0x94: {  	s24 =	sadd.s32 $0x1, s24;
	v61 =	vadd.f32 v4, v60;
	v62 =	vmul.f32 v2, v19;
	v0 =	vadd.f32 v1, v0  }
0x95: {  	p0 =	sne.s32 s24, $0x20  }
.Ltmp1:
0x96: {  	s25 =	sadd.s32 $0x200, s25;
	v63 =	vmul.f32 v61, v50;
	v0 =	vadd.f32 v0, v62;
	(pc) =	sbr.rel @p0 .LBB2_2-.Ltmp1, $4  }
0x97: {  	s28 =	sadd.s32 $0x80, s28;
	s25 =	sand.u32 $0x3000, s25  }
0x98: {  	s28 =	sand.u32 $0x380, s28;
	s25 =	sadd.s32 s25, s26;
	v0 =	vadd.f32 v0, v63  }
0x99: {  	s25 =	sadd.s32 s28, s25  }
0x9a: {  	[tilespmem:v20+s25+$0x0 ss:$0x1] =	vst.idx.msk $0xffff, v0  }
0x9b: {  	[hbm4b:s6+s19] =	stream.strided.scatter [tilespmem:s22], [sflag:$0x1], $0x4000, s20, s19, $0x38;
	[tilespmem:$0xE800] =	vst v63  }
0x9c: {  	_ =	swait.ge [sflag:s17], $0x4000  }
0x9d: {  	[sflag:s17] =	ssyncset.done $0x0  }
0x9e: {  	s24 =	simm.s32 $0x0;
	[sflag:s17] =	ssyncadd.s32 $0xFFFFC000  }
0x9f: {  	[tilespmem:s18], [sflag:$0x1] =	stream.linear.gather [hbm4b:s7+s24], $0x800, $0x38;
	[tilespmem:$0xE800] =	vst v63  }
0xa0: {  	_ =	swait.ge [sflag:s17], $0x800  }
0xa1: {  	[sflag:s17] =	ssyncset.done $0x0  }
0xa2: {  	[sflag:s17] =	ssyncadd.s32 $0xFFFFF800  }
0xa3: {  	[tilespmem:s21], [sflag:$0x1] =	stream.strided.gather [hbm4b:s8+s19], $0x2000, s20, s19, $0x38;
	[tilespmem:$0xE800] =	vst v63  }
0xa4: {  	_ =	swait.ge [sflag:s17], $0x2000  }
0xa5: {  	[sflag:s17] =	ssyncset.done $0x0  }
0xa6: {  	s25 =	simm.s32 $0x0;
	[sflag:s17] =	ssyncadd.s32 $0xFFFFE000  }
.LBB2_6:
0xa7: {  	s26 =	sshll.u32 s25, $0x4;
	s28 =	sshll.u32 s25, $0x6  }
0xa8: {  	s26 =	sand.u32 $0x70, s26;
	s28 =	sand.u32 $0x3FFFFE00, s28  }
0xa9: {  	s28 =	sor.u32 s26, s28  }
0xaa: {  	v0 =	vld [tilespmem:s28+$0x8000]  }
0xab: {  	v1 =	vld [tilespmem:s28+$0x8080];
	_ =	sdelay $0x1  }
0xac: {  	v2 =	vld [tilespmem:s28+$0x8100];
	_ =	sdelay $0x1  }
0xad: {  	v3 =	vshll.u32 v0, $0x3  }
0xae: {  	v4 =	vld [tilespmem:s28+$0x8180];
	v0 =	vand.u32 $0x7F, v0;
	v6 =	vshll.u32 v1, $0x3;
	v3 =	vand.u32 $0xFFFFFC00, v3  }
0xaf: {  	v5 =	vor.u32 v0, v3;
	v0 =	vand.u32 $0x7F, v1;
	v1 =	vand.u32 $0xFFFFFC00, v6  }
0xb0: {  	v9 =	vor.u32 v0, v1;
	v0 =	vshll.u32 v2, $0x3;
	v1 =	vmov s24  }
0xb1: {  	s28 =	sshll.u32 s25, $0x7;
	v2 =	vand.u32 $0x7F, v2;
	v0 =	vand.u32 $0xFFFFFC00, v0;
	v3 =	vshll.u32 v1, $0xA  }
0xb2: {  	s28 =	sand.u32 $0xFFFFFC00, s28;
	v12 =	vor.u32 v2, v0;
	v2 =	vand.u32 $0x6000, v3;
	v0 =	vshll.u32 v1, $0x7  }
0xb3: {  	s29 =	sor.u32 s26, s28;
	v6 =	vand.u32 $0x7F, v4;
	v7 =	vand.u32 $0x380, v0;
	v1 =	vadd.s32 v9, v2  }
0xb4: {  	v15 =	vld [tilespmem:s29+$0x9900];
	v3 =	vshll.u32 v4, $0x3;
	v4 =	vadd.s32 v5, v2;
	v8 =	vor.u32 v7, v1  }
0xb5: {  	v0 =	vld [tilespmem:s29+$0x8800];
	v10 =	vand.u32 $0xFFFFFC00, v3;
	v11 =	vadd.s32 v12, v2;
	v4 =	vor.u32 v7, v4  }
0xb6: {  	v3 =	vld [tilespmem:s29+$0x8900];
	v19 =	vor.u32 v6, v10;
	v10 =	vor.u32 v7, v11  }
0xb7: {  	v1 =	vld [tilespmem:s29+$0x8880];
	v11 =	vadd.s32 v19, v2  }
0xb8: {  	v6 =	vld [tilespmem:s29+$0x8980];
	v11 =	vor.u32 v7, v11  }
0xb9: {  	v13 =	vld.idx.msk [tilespmem:v8+s4+$0x0], $0xffff  }
0xba: {  	v14 =	vld.idx.msk [tilespmem:v4+s4+$0x0], $0xffff  }
0xbb: {  	v17 =	vld.idx.msk [tilespmem:v10+s4+$0x0], $0xffff  }
0xbc: {  	v2 =	vld [tilespmem:s29+$0x8A00]  }
0xbd: {  	v16 =	vld.idx.msk [tilespmem:v11+s4+$0x0], $0xffff  }
0xbe: {  	v7 =	vld [tilespmem:s29+$0x8A80]  }
0xbf: {  	v4 =	vld [tilespmem:s29+$0x8B00];
	v20 =	vmul.f32 v13, v14  }
0xc0: {  	s30 =	simm.s32 $0x1;
	v8 =	vld [tilespmem:s29+$0x9800];
	v18 =	vsub.f32 $1.000000000e+00, v17  }
0xc1: {  	v21 =	vmov s30;
	v11 =	vld [tilespmem:s29+$0x9880];
	v23 =	vsub.f32 $1.000000000e+00, v14;
	v22 =	vsub.f32 v13, v20  }
0xc2: {  	v10 =	vld [tilespmem:s29+$0x9A00];
	v24 =	vsub.f32 v14, v20;
	v25 =	vmul.f32 v16, v17;
	v26 =	vmul.f32 v20, v6  }
0xc3: {  	v13 =	vld [tilespmem:s29+$0x9A80];
	v23 =	vsub.f32 v23, v22;
	v27 =	vmul.f32 v22, v3;
	v28 =	vmul.f32 v22, v15  }
0xc4: {  	v14 =	vld [tilespmem:s29+$0x8B80];
	v29 =	vsub.f32 v16, v25;
	v30 =	vmul.f32 v24, v1;
	v31 =	vmul.f32 v24, v7  }
0xc5: {  	v16 =	vld [tilespmem:s29+$0x9B00];
	v32 =	vsub.f32 v17, v25;
	v33 =	vmul.f32 v23, v0;
	v34 =	vmul.f32 v23, v2  }
0xc6: {  	v17 =	vld [tilespmem:s29+$0x9980];
	v37 =	vmul.f32 v24, v11;
	v35 =	vsub.f32 v18, v29;
	v36 =	vmul.f32 v23, v8  }
0xc7: {  	v50 =	vmul.f32 v22, v4;
	v18 =	vld [tilespmem:s29+$0x9B80];
	v30 =	vadd.f32 v33, v30;
	v31 =	vadd.f32 v34, v31  }
0xc8: {  	v23 =	vmul.f32 v23, v10;
	v24 =	vmul.f32 v24, v13;
	v51 =	vadd.f32 v36, v37  }
0xc9: {  	v27 =	vadd.f32 v30, v27;
	v30 =	vadd.f32 v31, v50;
	v31 =	vmul.f32 v20, v14  }
0xca: {  	v23 =	vadd.f32 v23, v24;
	v22 =	vmul.f32 v22, v16;
	v28 =	vadd.f32 v51, v28  }
0xcb: {  	v24 =	vadd.f32 v27, v26;
	v26 =	vadd.f32 v30, v31;
	v27 =	vmul.f32 v20, v17  }
0xcc: {  	v22 =	vadd.f32 v23, v22;
	v23 =	vmul.f32 v20, v18;
	v30 =	vshll.u32 v21, $0xA  }
0xcd: {  	v27 =	vadd.f32 v28, v27;
	v24 =	vmul.f32 v24, v35;
	v26 =	vmul.f32 v26, v32  }
0xce: {  	v20 =	vmov s26;
	v21 =	vshll.u32 v21, $0x7;
	v22 =	vadd.f32 v22, v23  }
0xcf: {  	v28 =	vand.u32 $0x6000, v30;
	v23 =	vadd.f32 v26, v24;
	v24 =	vmul.f32 v27, v29  }
0xd0: {  	v21 =	vand.u32 $0x380, v21;
	v22 =	vmul.f32 v22, v25;
	v27 =	vadd.s32 v9, v28  }
0xd1: {  	v26 =	vadd.s32 v5, v28;
	v27 =	vor.u32 v21, v27;
	v23 =	vadd.f32 v23, v24  }
0xd2: {  	s26 =	sadd.s32 $0xA800, s28;
	s28 =	sand.u32 $0x3000, s24;
	v24 =	vor.u32 v21, v26  }
0xd3: {  	s29 =	sand.u32 $0x380, s24;
	s28 =	sadd.s32 s28, s26;
	v22 =	vadd.f32 v23, v22  }
0xd4: {  	s28 =	sadd.s32 s29, s28;
	v25 =	vadd.s32 v12, v28  }
0xd5: {  	v25 =	vor.u32 v21, v25;
	v23 =	vadd.s32 v19, v28;
	[tilespmem:v20+s28+$0x0 ss:$0x1] =	vst.idx.msk $0xffff, v22  }
0xd6: {  	v21 =	vor.u32 v21, v23;
	v22 =	vld.idx.msk [tilespmem:v27+s4+$0x0], $0xffff  }
0xd7: {  	v23 =	vld.idx.msk [tilespmem:v24+s4+$0x0], $0xffff;
	_ =	sdelay $0x2  }
0xd8: {  	v24 =	vld.idx.msk [tilespmem:v25+s4+$0x0], $0xffff  }
0xd9: {  	v25 =	vld.idx.msk [tilespmem:v21+s4+$0x0], $0xffff  }
0xda: {  	v26 =	vmul.f32 v22, v23;
	_ =	sdelay $0x1  }
0xdb: {  	v28 =	vsub.f32 v22, v26  }
0xdc: {  	v22 =	vsub.f32 $1.000000000e+00, v23;
	v23 =	vsub.f32 v23, v26;
	v30 =	vmul.f32 v26, v6  }
0xdd: {  	v27 =	vsub.f32 $1.000000000e+00, v24;
	v21 =	vmul.f32 v25, v24;
	v52 =	vmul.f32 v28, v3  }
0xde: {  	v31 =	vsub.f32 v22, v28;
	v53 =	vmul.f32 v23, v7;
	v57 =	vmul.f32 v23, v11  }
0xdf: {  	v58 =	vmul.f32 v28, v4;
	v22 =	vsub.f32 v25, v21;
	v25 =	vmul.f32 v23, v1  }
0xe0: {  	s28 =	simm.s32 $0x2;
	v54 =	vsub.f32 v24, v21;
	v24 =	vmul.f32 v31, v0;
	v55 =	vmul.f32 v31, v2  }
0xe1: {  	v29 =	vmov s28;
	v60 =	vmul.f32 v28, v15;
	v56 =	vmul.f32 v31, v8  }
0xe2: {  	v23 =	vmul.f32 v23, v13;
	v24 =	vadd.f32 v24, v25;
	v25 =	vadd.f32 v55, v53  }
0xe3: {  	v31 =	vmul.f32 v31, v10;
	v27 =	vsub.f32 v27, v22;
	v59 =	vadd.f32 v56, v57  }
0xe4: {  	v61 =	vmul.f32 v26, v14;
	v24 =	vadd.f32 v24, v52;
	v25 =	vadd.f32 v25, v58  }
0xe5: {  	v28 =	vmul.f32 v28, v16;
	v23 =	vadd.f32 v31, v23;
	v31 =	vadd.f32 v59, v60  }
0xe6: {  	v62 =	vmul.f32 v26, v17;
	v30 =	vadd.f32 v24, v30;
	v32 =	vadd.f32 v25, v61  }
0xe7: {  	v63 =	vshll.u32 v29, $0xA;
	v26 =	vmul.f32 v26, v18;
	v24 =	vadd.f32 v23, v28  }
0xe8: {  	v25 =	vadd.f32 v31, v62;
	v27 =	vmul.f32 v30, v27;
	v28 =	vmul.f32 v32, v54  }
0xe9: {  	s30 =	simm.s32 $0x3;
	s29 =	simm.s32 $0x0;
	s28 =	simm.s32 $0x0;
	v29 =	vshll.u32 v29, $0x7;
	v23 =	vand.u32 $0x6000, v63  }
.LBB2_7:
0xea: {  	p0 =	sne.s32 s30, $0x1F;
	v24 =	vadd.f32 v24, v26;
	v26 =	vadd.f32 v28, v27;
	v22 =	vmul.f32 v25, v22  }
0xeb: {  	v25 =	vand.u32 $0x380, v29;
	v27 =	vadd.s32 v5, v23;
	v28 =	vadd.s32 v9, v23  }
0xec: {  	s29 =	sadd.s32 $0x200, s29;
	v28 =	vor.u32 v25, v28;
	v22 =	vadd.f32 v26, v22;
	v21 =	vmul.f32 v24, v21  }
0xed: {  	s28 =	sadd.s32 $0x80, s28;
	s31 =	sand.u32 $0x3000, s29;
	v24 =	vor.u32 v25, v27;
	v26 =	vadd.s32 v12, v23  }
0xee: {  	s0 =	sand.u32 $0x380, s28;
	s31 =	sadd.s32 s31, s26;
	v26 =	vor.u32 v25, v26;
	v21 =	vadd.f32 v22, v21  }
0xef: {  	s0 =	sadd.s32 s0, s31;
	v22 =	vadd.s32 v19, v23  }
0xf0: {  	v22 =	vor.u32 v25, v22;
	[tilespmem:v20+s0+$0x0 ss:$0x1] =	vst.idx.msk $0xffff, v21  }
0xf1: {  	v21 =	vld.idx.msk [tilespmem:v28+s4+$0x0], $0xffff  }
0xf2: {  	v23 =	vld.idx.msk [tilespmem:v24+s4+$0x0], $0xffff  }
0xf3: {  	v24 =	vld.idx.msk [tilespmem:v26+s4+$0x0], $0xffff;
	_ =	sdelay $0x1  }
0xf4: {  	v22 =	vld.idx.msk [tilespmem:v22+s4+$0x0], $0xffff;
	_ =	sdelay $0x2  }
0xf5: {  	v25 =	vmul.f32 v21, v23  }
0xf6: {  	v26 =	vsub.f32 $1.000000000e+00, v24  }
0xf7: {  	v29 =	vmov s30;
	v28 =	vsub.f32 $1.000000000e+00, v23;
	v27 =	vsub.f32 v21, v25  }
0xf8: {  	v23 =	vsub.f32 v23, v25;
	v30 =	vmul.f32 v25, v6;
	v21 =	vmul.f32 v22, v24  }
0xf9: {  	v28 =	vsub.f32 v28, v27;
	v31 =	vmul.f32 v27, v3;
	v32 =	vmul.f32 v27, v15  }
0xfa: {  	v33 =	vmul.f32 v23, v1;
	v34 =	vmul.f32 v23, v7;
	v22 =	vsub.f32 v22, v21  }
0xfb: {  	v35 =	vsub.f32 v24, v21;
	v24 =	vmul.f32 v28, v0;
	v36 =	vmul.f32 v28, v2  }
0xfc: {  	v38 =	vmul.f32 v23, v11;
	v37 =	vsub.f32 v26, v22;
	v26 =	vmul.f32 v28, v8  }
0xfd: {  	v24 =	vadd.f32 v24, v33;
	v33 =	vadd.f32 v36, v34;
	v34 =	vmul.f32 v27, v4  }
0xfe: {  	v23 =	vmul.f32 v23, v13;
	v28 =	vmul.f32 v28, v10;
	v26 =	vadd.f32 v26, v38  }
0xff: {  	v24 =	vadd.f32 v24, v31;
	v31 =	vadd.f32 v33, v34;
	v33 =	vmul.f32 v25, v14  }
.Ltmp2:
0x100: {  	v23 =	vadd.f32 v28, v23;
	v32 =	vadd.f32 v26, v32;
	v26 =	vmul.f32 v27, v16;
	(pc) =	sbr.rel @p0 .LBB2_7-.Ltmp2, $4  }
0x101: {  	v27 =	vadd.f32 v24, v30;
	v28 =	vadd.f32 v31, v33;
	v30 =	vmul.f32 v25, v17  }
0x102: {  	v31 =	vshll.u32 v29, $0xA;
	v24 =	vadd.f32 v23, v26;
	v26 =	vmul.f32 v25, v18  }
0x103: {  	v25 =	vadd.f32 v32, v30;
	v27 =	vmul.f32 v27, v37;
	v28 =	vmul.f32 v28, v35  }
0x104: {  	s30 =	sadd.s32 $0x1, s30;
	v29 =	vshll.u32 v29, $0x7;
	v23 =	vand.u32 $0x6000, v31  }
0x105: {  	v24 =	vadd.f32 v24, v26;
	v45 =	vadd.f32 v28, v27;
	v22 =	vmul.f32 v25, v22  }
0x106: {  	v46 =	vand.u32 $0x380, v29;
	v5 =	vadd.s32 v5, v23;
	v9 =	vadd.s32 v9, v23  }
0x107: {  	s0 =	sadd.s32 $0x200, s29;
	v9 =	vor.u32 v46, v9;
	v22 =	vadd.f32 v45, v22;
	v21 =	vmul.f32 v24, v21  }
0x108: {  	v12 =	vadd.s32 v12, v23;
	s28 =	sadd.s32 $0x80, s28;
	v5 =	vor.u32 v46, v5;
	s29 =	sand.u32 $0x3000, s0  }
0x109: {  	v12 =	vor.u32 v46, v12;
	s30 =	sand.u32 $0x380, s28;
	s29 =	sadd.s32 s29, s26;
	v21 =	vadd.f32 v22, v21  }
0x10a: {  	v19 =	vadd.s32 v19, v23;
	s29 =	sadd.s32 s30, s29  }
0x10b: {  	v19 =	vor.u32 v46, v19;
	[tilespmem:v20+s29+$0x0 ss:$0x1] =	vst.idx.msk $0xffff, v21  }
0x10c: {  	v9 =	vld.idx.msk [tilespmem:v9+s4+$0x0], $0xffff  }
0x10d: {  	v5 =	vld.idx.msk [tilespmem:v5+s4+$0x0], $0xffff  }
0x10e: {  	v12 =	vld.idx.msk [tilespmem:v12+s4+$0x0], $0xffff;
	_ =	sdelay $0x1  }
0x10f: {  	v19 =	vld.idx.msk [tilespmem:v19+s4+$0x0], $0xffff;
	_ =	sdelay $0x1  }
0x110: {  	v47 =	vmul.f32 v9, v5  }
0x111: {  	v48 =	vsub.f32 $1.000000000e+00, v12  }
0x112: {  	v49 =	vsub.f32 $1.000000000e+00, v5;
	v9 =	vsub.f32 v9, v47  }
0x113: {  	v50 =	vmul.f32 v19, v12;
	v5 =	vsub.f32 v5, v47;
	v6 =	vmul.f32 v47, v6  }
0x114: {  	v23 =	vsub.f32 v49, v9;
	v3 =	vmul.f32 v9, v3;
	v15 =	vmul.f32 v9, v15  }
0x115: {  	v19 =	vsub.f32 v19, v50;
	v1 =	vmul.f32 v5, v1;
	v7 =	vmul.f32 v5, v7  }
0x116: {  	v12 =	vsub.f32 v12, v50;
	v0 =	vmul.f32 v23, v0;
	v2 =	vmul.f32 v23, v2  }
0x117: {  	v22 =	vsub.f32 v48, v19;
	v11 =	vmul.f32 v5, v11;
	v8 =	vmul.f32 v23, v8  }
0x118: {  	v52 =	vmul.f32 v9, v4;
	v0 =	vadd.f32 v0, v1;
	v51 =	vadd.f32 v2, v7  }
0x119: {  	v5 =	vmul.f32 v5, v13;
	v54 =	vmul.f32 v23, v10;
	v53 =	vadd.f32 v8, v11  }
0x11a: {  	v55 =	vmul.f32 v47, v14;
	v0 =	vadd.f32 v0, v3;
	v1 =	vadd.f32 v51, v52  }
0x11b: {  	v58 =	vmul.f32 v9, v16;
	v57 =	vadd.f32 v54, v5;
	v56 =	vadd.f32 v53, v15  }
0x11c: {  	v59 =	vmul.f32 v47, v17;
	v0 =	vadd.f32 v0, v6;
	v1 =	vadd.f32 v1, v55  }
0x11d: {  	v60 =	vmul.f32 v47, v18;
	v4 =	vadd.f32 v57, v58  }
0x11e: {  	v2 =	vadd.f32 v56, v59;
	v0 =	vmul.f32 v0, v22;
	v1 =	vmul.f32 v1, v12;
	_ =	sdelay $0x1  }
0x11f: {  	s25 =	sadd.s32 $0x1, s25;
	v61 =	vadd.f32 v4, v60;
	v62 =	vmul.f32 v2, v19;
	v0 =	vadd.f32 v1, v0  }
0x120: {  	p0 =	sne.s32 s25, $0x20  }
.Ltmp3:
0x121: {  	s0 =	sadd.s32 $0x200, s0;
	v63 =	vmul.f32 v61, v50;
	v0 =	vadd.f32 v0, v62;
	(pc) =	sbr.rel @p0 .LBB2_6-.Ltmp3, $4  }
0x122: {  	s28 =	sadd.s32 $0x80, s28;
	s0 =	sand.u32 $0x3000, s0  }
0x123: {  	s28 =	sand.u32 $0x380, s28;
	s0 =	sadd.s32 s0, s26;
	v0 =	vadd.f32 v0, v63  }
0x124: {  	s0 =	sadd.s32 s28, s0  }
0x125: {  	[tilespmem:v20+s0+$0x0 ss:$0x1] =	vst.idx.msk $0xffff, v0  }
0x126: {  	[hbm4b:s9+s19] =	stream.strided.scatter [tilespmem:s22], [sflag:$0x1], $0x4000, s20, s19, $0x38;
	[tilespmem:$0xE800] =	vst v63  }
0x127: {  	_ =	swait.ge [sflag:s17], $0x4000  }
0x128: {  	[sflag:s17] =	ssyncset.done $0x0  }
0x129: {  	s24 =	simm.s32 $0x0;
	[sflag:s17] =	ssyncadd.s32 $0xFFFFC000  }
0x12a: {  	[tilespmem:s18], [sflag:$0x1] =	stream.linear.gather [hbm4b:s10+s24], $0x800, $0x38;
	[tilespmem:$0xE800] =	vst v63  }
0x12b: {  	_ =	swait.ge [sflag:s17], $0x800  }
0x12c: {  	[sflag:s17] =	ssyncset.done $0x0  }
0x12d: {  	[sflag:s17] =	ssyncadd.s32 $0xFFFFF800  }
0x12e: {  	[tilespmem:s21], [sflag:$0x1] =	stream.strided.gather [hbm4b:s11+s19], $0x2000, s20, s19, $0x38;
	[tilespmem:$0xE800] =	vst v63  }
0x12f: {  	_ =	swait.ge [sflag:s17], $0x2000  }
0x130: {  	[sflag:s17] =	ssyncset.done $0x0  }
0x131: {  	s25 =	simm.s32 $0x0;
	[sflag:s17] =	ssyncadd.s32 $0xFFFFE000  }
.LBB2_10:
0x132: {  	s0 =	sshll.u32 s25, $0x4;
	s28 =	sshll.u32 s25, $0x6  }
0x133: {  	s26 =	sand.u32 $0x70, s0;
	s31 =	sand.u32 $0x3FFFFE00, s28  }
0x134: {  	s0 =	sor.u32 s26, s31  }
0x135: {  	v0 =	vld [tilespmem:s0+$0x8000]  }
0x136: {  	v1 =	vld [tilespmem:s0+$0x8080];
	_ =	sdelay $0x1  }
0x137: {  	v2 =	vld [tilespmem:s0+$0x8100];
	_ =	sdelay $0x1  }
0x138: {  	v3 =	vshll.u32 v0, $0x3  }
0x139: {  	v4 =	vld [tilespmem:s0+$0x8180];
	v0 =	vand.u32 $0x7F, v0;
	v6 =	vshll.u32 v1, $0x3;
	v3 =	vand.u32 $0xFFFFFC00, v3  }
0x13a: {  	v5 =	vor.u32 v0, v3;
	v0 =	vand.u32 $0x7F, v1;
	v1 =	vand.u32 $0xFFFFFC00, v6  }
0x13b: {  	v9 =	vor.u32 v0, v1;
	v0 =	vshll.u32 v2, $0x3;
	v1 =	vmov s24  }
0x13c: {  	s31 =	sshll.u32 s25, $0x7;
	v2 =	vand.u32 $0x7F, v2;
	v0 =	vand.u32 $0xFFFFFC00, v0;
	v3 =	vshll.u32 v1, $0xA  }
0x13d: {  	s28 =	sand.u32 $0xFFFFFC00, s31;
	v12 =	vor.u32 v2, v0;
	v2 =	vand.u32 $0x6000, v3;
	v0 =	vshll.u32 v1, $0x7  }
0x13e: {  	s0 =	sor.u32 s26, s28;
	v6 =	vand.u32 $0x7F, v4;
	v7 =	vand.u32 $0x380, v0;
	v1 =	vadd.s32 v9, v2  }
0x13f: {  	v15 =	vld [tilespmem:s0+$0x9900];
	v3 =	vshll.u32 v4, $0x3;
	v4 =	vadd.s32 v5, v2;
	v8 =	vor.u32 v7, v1  }
0x140: {  	v0 =	vld [tilespmem:s0+$0x8800];
	v10 =	vand.u32 $0xFFFFFC00, v3;
	v11 =	vadd.s32 v12, v2;
	v4 =	vor.u32 v7, v4  }
0x141: {  	v3 =	vld [tilespmem:s0+$0x8900];
	v19 =	vor.u32 v6, v10;
	v10 =	vor.u32 v7, v11  }
0x142: {  	v1 =	vld [tilespmem:s0+$0x8880];
	v11 =	vadd.s32 v19, v2  }
0x143: {  	v6 =	vld [tilespmem:s0+$0x8980];
	v11 =	vor.u32 v7, v11  }
0x144: {  	v13 =	vld.idx.msk [tilespmem:v8+s4+$0x0], $0xffff  }
0x145: {  	v14 =	vld.idx.msk [tilespmem:v4+s4+$0x0], $0xffff  }
0x146: {  	v17 =	vld.idx.msk [tilespmem:v10+s4+$0x0], $0xffff  }
0x147: {  	v2 =	vld [tilespmem:s0+$0x8A00]  }
0x148: {  	v16 =	vld.idx.msk [tilespmem:v11+s4+$0x0], $0xffff  }
0x149: {  	v7 =	vld [tilespmem:s0+$0x8A80]  }
0x14a: {  	v4 =	vld [tilespmem:s0+$0x8B00];
	v20 =	vmul.f32 v13, v14  }
0x14b: {  	s29 =	simm.s32 $0x1;
	v8 =	vld [tilespmem:s0+$0x9800];
	v18 =	vsub.f32 $1.000000000e+00, v17  }
0x14c: {  	v21 =	vmov s29;
	v11 =	vld [tilespmem:s0+$0x9880];
	v23 =	vsub.f32 $1.000000000e+00, v14;
	v22 =	vsub.f32 v13, v20  }
0x14d: {  	v10 =	vld [tilespmem:s0+$0x9A00];
	v24 =	vsub.f32 v14, v20;
	v25 =	vmul.f32 v16, v17;
	v26 =	vmul.f32 v20, v6  }
0x14e: {  	v13 =	vld [tilespmem:s0+$0x9A80];
	v23 =	vsub.f32 v23, v22;
	v27 =	vmul.f32 v22, v3;
	v28 =	vmul.f32 v22, v15  }
0x14f: {  	v14 =	vld [tilespmem:s0+$0x8B80];
	v29 =	vsub.f32 v16, v25;
	v30 =	vmul.f32 v24, v1;
	v31 =	vmul.f32 v24, v7  }
0x150: {  	v16 =	vld [tilespmem:s0+$0x9B00];
	v32 =	vsub.f32 v17, v25;
	v33 =	vmul.f32 v23, v0;
	v34 =	vmul.f32 v23, v2  }
0x151: {  	v17 =	vld [tilespmem:s0+$0x9980];
	v37 =	vmul.f32 v24, v11;
	v35 =	vsub.f32 v18, v29;
	v36 =	vmul.f32 v23, v8  }
0x152: {  	v50 =	vmul.f32 v22, v4;
	v18 =	vld [tilespmem:s0+$0x9B80];
	v30 =	vadd.f32 v33, v30;
	v31 =	vadd.f32 v34, v31  }
0x153: {  	v23 =	vmul.f32 v23, v10;
	v24 =	vmul.f32 v24, v13;
	v51 =	vadd.f32 v36, v37  }
0x154: {  	v27 =	vadd.f32 v30, v27;
	v30 =	vadd.f32 v31, v50;
	v31 =	vmul.f32 v20, v14  }
0x155: {  	v23 =	vadd.f32 v23, v24;
	v22 =	vmul.f32 v22, v16;
	v28 =	vadd.f32 v51, v28  }
0x156: {  	v24 =	vadd.f32 v27, v26;
	v26 =	vadd.f32 v30, v31;
	v27 =	vmul.f32 v20, v17  }
0x157: {  	v22 =	vadd.f32 v23, v22;
	v23 =	vmul.f32 v20, v18;
	v30 =	vshll.u32 v21, $0xA  }
0x158: {  	v27 =	vadd.f32 v28, v27;
	v24 =	vmul.f32 v24, v35;
	v26 =	vmul.f32 v26, v32  }
0x159: {  	v20 =	vmov s26;
	v21 =	vshll.u32 v21, $0x7;
	v22 =	vadd.f32 v22, v23  }
0x15a: {  	v28 =	vand.u32 $0x6000, v30;
	v23 =	vadd.f32 v26, v24;
	v24 =	vmul.f32 v27, v29  }
0x15b: {  	v21 =	vand.u32 $0x380, v21;
	v22 =	vmul.f32 v22, v25;
	v27 =	vadd.s32 v9, v28  }
0x15c: {  	v26 =	vadd.s32 v5, v28;
	v27 =	vor.u32 v21, v27;
	v23 =	vadd.f32 v23, v24  }
0x15d: {  	s31 =	sand.u32 $0x3000, s24;
	s26 =	sadd.s32 $0xA800, s28;
	v24 =	vor.u32 v21, v26  }
0x15e: {  	s28 =	sand.u32 $0x380, s24;
	s0 =	sadd.s32 s31, s26;
	v22 =	vadd.f32 v23, v22  }
0x15f: {  	s0 =	sadd.s32 s28, s0;
	v25 =	vadd.s32 v12, v28  }
0x160: {  	v25 =	vor.u32 v21, v25;
	v23 =	vadd.s32 v19, v28;
	[tilespmem:v20+s0+$0x0 ss:$0x1] =	vst.idx.msk $0xffff, v22  }
0x161: {  	v21 =	vor.u32 v21, v23;
	v22 =	vld.idx.msk [tilespmem:v27+s4+$0x0], $0xffff  }
0x162: {  	v23 =	vld.idx.msk [tilespmem:v24+s4+$0x0], $0xffff;
	_ =	sdelay $0x2  }
0x163: {  	v24 =	vld.idx.msk [tilespmem:v25+s4+$0x0], $0xffff  }
0x164: {  	v25 =	vld.idx.msk [tilespmem:v21+s4+$0x0], $0xffff  }
0x165: {  	v26 =	vmul.f32 v22, v23;
	_ =	sdelay $0x1  }
0x166: {  	v28 =	vsub.f32 v22, v26  }
0x167: {  	v22 =	vsub.f32 $1.000000000e+00, v23;
	v23 =	vsub.f32 v23, v26;
	v30 =	vmul.f32 v26, v6  }
0x168: {  	v27 =	vsub.f32 $1.000000000e+00, v24;
	v21 =	vmul.f32 v25, v24;
	v52 =	vmul.f32 v28, v3  }
0x169: {  	v31 =	vsub.f32 v22, v28;
	v53 =	vmul.f32 v23, v7;
	v57 =	vmul.f32 v23, v11  }
0x16a: {  	v58 =	vmul.f32 v28, v4;
	v22 =	vsub.f32 v25, v21;
	v25 =	vmul.f32 v23, v1  }
0x16b: {  	s31 =	simm.s32 $0x2;
	v54 =	vsub.f32 v24, v21;
	v24 =	vmul.f32 v31, v0;
	v55 =	vmul.f32 v31, v2  }
0x16c: {  	v29 =	vmov s31;
	v60 =	vmul.f32 v28, v15;
	v56 =	vmul.f32 v31, v8  }
0x16d: {  	v23 =	vmul.f32 v23, v13;
	v24 =	vadd.f32 v24, v25;
	v25 =	vadd.f32 v55, v53  }
0x16e: {  	v31 =	vmul.f32 v31, v10;
	v27 =	vsub.f32 v27, v22;
	v59 =	vadd.f32 v56, v57  }
0x16f: {  	v61 =	vmul.f32 v26, v14;
	v24 =	vadd.f32 v24, v52;
	v25 =	vadd.f32 v25, v58  }
0x170: {  	v28 =	vmul.f32 v28, v16;
	v23 =	vadd.f32 v31, v23;
	v31 =	vadd.f32 v59, v60  }
0x171: {  	v62 =	vmul.f32 v26, v17;
	v30 =	vadd.f32 v24, v30;
	v32 =	vadd.f32 v25, v61  }
0x172: {  	v63 =	vshll.u32 v29, $0xA;
	v26 =	vmul.f32 v26, v18;
	v24 =	vadd.f32 v23, v28  }
0x173: {  	v25 =	vadd.f32 v31, v62;
	v27 =	vmul.f32 v30, v27;
	v28 =	vmul.f32 v32, v54  }
0x174: {  	s30 =	simm.s32 $0x3;
	s29 =	simm.s32 $0x0;
	s28 =	simm.s32 $0x0;
	v29 =	vshll.u32 v29, $0x7;
	v23 =	vand.u32 $0x6000, v63  }
.LBB2_11:
0x175: {  	p0 =	sne.s32 s30, $0x1F;
	v24 =	vadd.f32 v24, v26;
	v26 =	vadd.f32 v28, v27;
	v22 =	vmul.f32 v25, v22  }
0x176: {  	v25 =	vand.u32 $0x380, v29;
	v27 =	vadd.s32 v5, v23;
	v28 =	vadd.s32 v9, v23  }
0x177: {  	s29 =	sadd.s32 $0x200, s29;
	v28 =	vor.u32 v25, v28;
	v22 =	vadd.f32 v26, v22;
	v21 =	vmul.f32 v24, v21  }
0x178: {  	s28 =	sadd.s32 $0x80, s28;
	s0 =	sand.u32 $0x3000, s29;
	v24 =	vor.u32 v25, v27;
	v26 =	vadd.s32 v12, v23  }
0x179: {  	s31 =	sand.u32 $0x380, s28;
	s0 =	sadd.s32 s0, s26;
	v26 =	vor.u32 v25, v26;
	v21 =	vadd.f32 v22, v21  }
0x17a: {  	s0 =	sadd.s32 s31, s0;
	v22 =	vadd.s32 v19, v23  }
0x17b: {  	v22 =	vor.u32 v25, v22;
	[tilespmem:v20+s0+$0x0 ss:$0x1] =	vst.idx.msk $0xffff, v21  }
0x17c: {  	v21 =	vld.idx.msk [tilespmem:v28+s4+$0x0], $0xffff  }
0x17d: {  	v23 =	vld.idx.msk [tilespmem:v24+s4+$0x0], $0xffff  }
0x17e: {  	v24 =	vld.idx.msk [tilespmem:v26+s4+$0x0], $0xffff;
	_ =	sdelay $0x1  }
0x17f: {  	v22 =	vld.idx.msk [tilespmem:v22+s4+$0x0], $0xffff;
	_ =	sdelay $0x2  }
0x180: {  	v25 =	vmul.f32 v21, v23  }
0x181: {  	v26 =	vsub.f32 $1.000000000e+00, v24  }
0x182: {  	v29 =	vmov s30;
	v28 =	vsub.f32 $1.000000000e+00, v23;
	v27 =	vsub.f32 v21, v25  }
0x183: {  	v23 =	vsub.f32 v23, v25;
	v30 =	vmul.f32 v25, v6;
	v21 =	vmul.f32 v22, v24  }
0x184: {  	v28 =	vsub.f32 v28, v27;
	v31 =	vmul.f32 v27, v3;
	v32 =	vmul.f32 v27, v15  }
0x185: {  	v33 =	vmul.f32 v23, v1;
	v34 =	vmul.f32 v23, v7;
	v22 =	vsub.f32 v22, v21  }
0x186: {  	v35 =	vsub.f32 v24, v21;
	v24 =	vmul.f32 v28, v0;
	v36 =	vmul.f32 v28, v2  }
0x187: {  	v38 =	vmul.f32 v23, v11;
	v37 =	vsub.f32 v26, v22;
	v26 =	vmul.f32 v28, v8  }
0x188: {  	v24 =	vadd.f32 v24, v33;
	v33 =	vadd.f32 v36, v34;
	v34 =	vmul.f32 v27, v4  }
0x189: {  	v23 =	vmul.f32 v23, v13;
	v28 =	vmul.f32 v28, v10;
	v26 =	vadd.f32 v26, v38  }
0x18a: {  	v24 =	vadd.f32 v24, v31;
	v31 =	vadd.f32 v33, v34;
	v33 =	vmul.f32 v25, v14  }
.Ltmp4:
0x18b: {  	v23 =	vadd.f32 v28, v23;
	v32 =	vadd.f32 v26, v32;
	v26 =	vmul.f32 v27, v16;
	(pc) =	sbr.rel @p0 .LBB2_11-.Ltmp4, $4  }
0x18c: {  	v27 =	vadd.f32 v24, v30;
	v28 =	vadd.f32 v31, v33;
	v30 =	vmul.f32 v25, v17  }
0x18d: {  	v31 =	vshll.u32 v29, $0xA;
	v24 =	vadd.f32 v23, v26;
	v26 =	vmul.f32 v25, v18  }
0x18e: {  	v25 =	vadd.f32 v32, v30;
	v27 =	vmul.f32 v27, v37;
	v28 =	vmul.f32 v28, v35  }
0x18f: {  	s30 =	sadd.s32 $0x1, s30;
	v29 =	vshll.u32 v29, $0x7;
	v23 =	vand.u32 $0x6000, v31  }
0x190: {  	v24 =	vadd.f32 v24, v26;
	v45 =	vadd.f32 v28, v27;
	v22 =	vmul.f32 v25, v22  }
0x191: {  	v46 =	vand.u32 $0x380, v29;
	v5 =	vadd.s32 v5, v23;
	v9 =	vadd.s32 v9, v23  }
0x192: {  	s0 =	sadd.s32 $0x200, s29;
	v9 =	vor.u32 v46, v9;
	v22 =	vadd.f32 v45, v22;
	v21 =	vmul.f32 v24, v21  }
0x193: {  	v12 =	vadd.s32 v12, v23;
	s28 =	sadd.s32 $0x80, s28;
	v5 =	vor.u32 v46, v5;
	s29 =	sand.u32 $0x3000, s0  }
0x194: {  	v12 =	vor.u32 v46, v12;
	s30 =	sand.u32 $0x380, s28;
	s29 =	sadd.s32 s29, s26;
	v21 =	vadd.f32 v22, v21  }
0x195: {  	v19 =	vadd.s32 v19, v23;
	s29 =	sadd.s32 s30, s29  }
0x196: {  	v19 =	vor.u32 v46, v19;
	[tilespmem:v20+s29+$0x0 ss:$0x1] =	vst.idx.msk $0xffff, v21  }
0x197: {  	v9 =	vld.idx.msk [tilespmem:v9+s4+$0x0], $0xffff  }
0x198: {  	v5 =	vld.idx.msk [tilespmem:v5+s4+$0x0], $0xffff  }
0x199: {  	v12 =	vld.idx.msk [tilespmem:v12+s4+$0x0], $0xffff;
	_ =	sdelay $0x1  }
0x19a: {  	v19 =	vld.idx.msk [tilespmem:v19+s4+$0x0], $0xffff;
	_ =	sdelay $0x1  }
0x19b: {  	v47 =	vmul.f32 v9, v5  }
0x19c: {  	v48 =	vsub.f32 $1.000000000e+00, v12  }
0x19d: {  	v49 =	vsub.f32 $1.000000000e+00, v5;
	v9 =	vsub.f32 v9, v47  }
0x19e: {  	v50 =	vmul.f32 v19, v12;
	v5 =	vsub.f32 v5, v47;
	v6 =	vmul.f32 v47, v6  }
0x19f: {  	v23 =	vsub.f32 v49, v9;
	v3 =	vmul.f32 v9, v3;
	v15 =	vmul.f32 v9, v15  }
0x1a0: {  	v19 =	vsub.f32 v19, v50;
	v1 =	vmul.f32 v5, v1;
	v7 =	vmul.f32 v5, v7  }
0x1a1: {  	v12 =	vsub.f32 v12, v50;
	v0 =	vmul.f32 v23, v0;
	v2 =	vmul.f32 v23, v2  }
0x1a2: {  	v22 =	vsub.f32 v48, v19;
	v11 =	vmul.f32 v5, v11;
	v8 =	vmul.f32 v23, v8  }
0x1a3: {  	v52 =	vmul.f32 v9, v4;
	v0 =	vadd.f32 v0, v1;
	v51 =	vadd.f32 v2, v7  }
0x1a4: {  	v5 =	vmul.f32 v5, v13;
	v54 =	vmul.f32 v23, v10;
	v53 =	vadd.f32 v8, v11  }
0x1a5: {  	v55 =	vmul.f32 v47, v14;
	v0 =	vadd.f32 v0, v3;
	v1 =	vadd.f32 v51, v52  }
0x1a6: {  	v58 =	vmul.f32 v9, v16;
	v57 =	vadd.f32 v54, v5;
	v56 =	vadd.f32 v53, v15  }
0x1a7: {  	v59 =	vmul.f32 v47, v17;
	v0 =	vadd.f32 v0, v6;
	v1 =	vadd.f32 v1, v55  }
0x1a8: {  	v60 =	vmul.f32 v47, v18;
	v4 =	vadd.f32 v57, v58  }
0x1a9: {  	v2 =	vadd.f32 v56, v59;
	v0 =	vmul.f32 v0, v22;
	v1 =	vmul.f32 v1, v12;
	_ =	sdelay $0x1  }
0x1aa: {  	s25 =	sadd.s32 $0x1, s25;
	v61 =	vadd.f32 v4, v60;
	v62 =	vmul.f32 v2, v19;
	v0 =	vadd.f32 v1, v0  }
0x1ab: {  	p0 =	sne.s32 s25, $0x20  }
.Ltmp5:
0x1ac: {  	s0 =	sadd.s32 $0x200, s0;
	v63 =	vmul.f32 v61, v50;
	v0 =	vadd.f32 v0, v62;
	(pc) =	sbr.rel @p0 .LBB2_10-.Ltmp5, $4  }
0x1ad: {  	s28 =	sadd.s32 $0x80, s28;
	s0 =	sand.u32 $0x3000, s0  }
0x1ae: {  	s28 =	sand.u32 $0x380, s28;
	s0 =	sadd.s32 s0, s26;
	v0 =	vadd.f32 v0, v63  }
0x1af: {  	s0 =	sadd.s32 s28, s0  }
0x1b0: {  	[tilespmem:v20+s0+$0x0 ss:$0x1] =	vst.idx.msk $0xffff, v0  }
0x1b1: {  	[hbm4b:s12+s19] =	stream.strided.scatter [tilespmem:s22], [sflag:$0x1], $0x4000, s20, s19, $0x38;
	[tilespmem:$0xE800] =	vst v63  }
0x1b2: {  	_ =	swait.ge [sflag:s17], $0x4000  }
0x1b3: {  	[sflag:s17] =	ssyncset.done $0x0  }
0x1b4: {  	s24 =	simm.s32 $0x0;
	[sflag:s17] =	ssyncadd.s32 $0xFFFFC000  }
0x1b5: {  	[tilespmem:s18], [sflag:$0x1] =	stream.linear.gather [hbm4b:s13+s24], $0x800, $0x38;
	[tilespmem:$0xE800] =	vst v63  }
0x1b6: {  	_ =	swait.ge [sflag:s17], $0x800  }
0x1b7: {  	[sflag:s17] =	ssyncset.done $0x0  }
0x1b8: {  	[sflag:s17] =	ssyncadd.s32 $0xFFFFF800  }
0x1b9: {  	[tilespmem:s21], [sflag:$0x1] =	stream.strided.gather [hbm4b:s14+s19], $0x2000, s20, s19, $0x38;
	[tilespmem:$0xE800] =	vst v63  }
0x1ba: {  	_ =	swait.ge [sflag:s17], $0x2000  }
0x1bb: {  	[sflag:s17] =	ssyncset.done $0x0  }
0x1bc: {  	s25 =	simm.s32 $0x0;
	[sflag:s17] =	ssyncadd.s32 $0xFFFFE000  }
.LBB2_14:
0x1bd: {  	s0 =	sshll.u32 s25, $0x4;
	s28 =	sshll.u32 s25, $0x6  }
0x1be: {  	s26 =	sand.u32 $0x70, s0;
	s31 =	sand.u32 $0x3FFFFE00, s28  }
0x1bf: {  	s0 =	sor.u32 s26, s31  }
0x1c0: {  	v0 =	vld [tilespmem:s0+$0x8000]  }
0x1c1: {  	v1 =	vld [tilespmem:s0+$0x8080];
	_ =	sdelay $0x1  }
0x1c2: {  	v2 =	vld [tilespmem:s0+$0x8100];
	_ =	sdelay $0x1  }
0x1c3: {  	v3 =	vshll.u32 v0, $0x3  }
0x1c4: {  	v4 =	vld [tilespmem:s0+$0x8180];
	v0 =	vand.u32 $0x7F, v0;
	v6 =	vshll.u32 v1, $0x3;
	v3 =	vand.u32 $0xFFFFFC00, v3  }
0x1c5: {  	v5 =	vor.u32 v0, v3;
	v0 =	vand.u32 $0x7F, v1;
	v1 =	vand.u32 $0xFFFFFC00, v6  }
0x1c6: {  	v9 =	vor.u32 v0, v1;
	v0 =	vshll.u32 v2, $0x3;
	v1 =	vmov s24  }
0x1c7: {  	s31 =	sshll.u32 s25, $0x7;
	v2 =	vand.u32 $0x7F, v2;
	v0 =	vand.u32 $0xFFFFFC00, v0;
	v3 =	vshll.u32 v1, $0xA  }
0x1c8: {  	s28 =	sand.u32 $0xFFFFFC00, s31;
	v12 =	vor.u32 v2, v0;
	v2 =	vand.u32 $0x6000, v3;
	v0 =	vshll.u32 v1, $0x7  }
0x1c9: {  	s0 =	sor.u32 s26, s28;
	v6 =	vand.u32 $0x7F, v4;
	v7 =	vand.u32 $0x380, v0;
	v1 =	vadd.s32 v9, v2  }
0x1ca: {  	v15 =	vld [tilespmem:s0+$0x9900];
	v3 =	vshll.u32 v4, $0x3;
	v4 =	vadd.s32 v5, v2;
	v8 =	vor.u32 v7, v1  }
0x1cb: {  	v0 =	vld [tilespmem:s0+$0x8800];
	v10 =	vand.u32 $0xFFFFFC00, v3;
	v11 =	vadd.s32 v12, v2;
	v4 =	vor.u32 v7, v4  }
0x1cc: {  	v3 =	vld [tilespmem:s0+$0x8900];
	v19 =	vor.u32 v6, v10;
	v10 =	vor.u32 v7, v11  }
0x1cd: {  	v1 =	vld [tilespmem:s0+$0x8880];
	v11 =	vadd.s32 v19, v2  }
0x1ce: {  	v6 =	vld [tilespmem:s0+$0x8980];
	v11 =	vor.u32 v7, v11  }
0x1cf: {  	v13 =	vld.idx.msk [tilespmem:v8+s4+$0x0], $0xffff  }
0x1d0: {  	v14 =	vld.idx.msk [tilespmem:v4+s4+$0x0], $0xffff  }
0x1d1: {  	v17 =	vld.idx.msk [tilespmem:v10+s4+$0x0], $0xffff  }
0x1d2: {  	v2 =	vld [tilespmem:s0+$0x8A00]  }
0x1d3: {  	v16 =	vld.idx.msk [tilespmem:v11+s4+$0x0], $0xffff  }
0x1d4: {  	v7 =	vld [tilespmem:s0+$0x8A80]  }
0x1d5: {  	v4 =	vld [tilespmem:s0+$0x8B00];
	v20 =	vmul.f32 v13, v14  }
0x1d6: {  	s29 =	simm.s32 $0x1;
	v8 =	vld [tilespmem:s0+$0x9800];
	v18 =	vsub.f32 $1.000000000e+00, v17  }
0x1d7: {  	v21 =	vmov s29;
	v11 =	vld [tilespmem:s0+$0x9880];
	v23 =	vsub.f32 $1.000000000e+00, v14;
	v22 =	vsub.f32 v13, v20  }
0x1d8: {  	v10 =	vld [tilespmem:s0+$0x9A00];
	v24 =	vsub.f32 v14, v20;
	v25 =	vmul.f32 v16, v17;
	v26 =	vmul.f32 v20, v6  }
0x1d9: {  	v13 =	vld [tilespmem:s0+$0x9A80];
	v23 =	vsub.f32 v23, v22;
	v27 =	vmul.f32 v22, v3;
	v28 =	vmul.f32 v22, v15  }
0x1da: {  	v14 =	vld [tilespmem:s0+$0x8B80];
	v29 =	vsub.f32 v16, v25;
	v30 =	vmul.f32 v24, v1;
	v31 =	vmul.f32 v24, v7  }
0x1db: {  	v16 =	vld [tilespmem:s0+$0x9B00];
	v32 =	vsub.f32 v17, v25;
	v33 =	vmul.f32 v23, v0;
	v34 =	vmul.f32 v23, v2  }
0x1dc: {  	v17 =	vld [tilespmem:s0+$0x9980];
	v37 =	vmul.f32 v24, v11;
	v35 =	vsub.f32 v18, v29;
	v36 =	vmul.f32 v23, v8  }
0x1dd: {  	v50 =	vmul.f32 v22, v4;
	v18 =	vld [tilespmem:s0+$0x9B80];
	v30 =	vadd.f32 v33, v30;
	v31 =	vadd.f32 v34, v31  }
0x1de: {  	v23 =	vmul.f32 v23, v10;
	v24 =	vmul.f32 v24, v13;
	v51 =	vadd.f32 v36, v37  }
0x1df: {  	v27 =	vadd.f32 v30, v27;
	v30 =	vadd.f32 v31, v50;
	v31 =	vmul.f32 v20, v14  }
0x1e0: {  	v23 =	vadd.f32 v23, v24;
	v22 =	vmul.f32 v22, v16;
	v28 =	vadd.f32 v51, v28  }
0x1e1: {  	v24 =	vadd.f32 v27, v26;
	v26 =	vadd.f32 v30, v31;
	v27 =	vmul.f32 v20, v17  }
0x1e2: {  	v22 =	vadd.f32 v23, v22;
	v23 =	vmul.f32 v20, v18;
	v30 =	vshll.u32 v21, $0xA  }
0x1e3: {  	v27 =	vadd.f32 v28, v27;
	v24 =	vmul.f32 v24, v35;
	v26 =	vmul.f32 v26, v32  }
0x1e4: {  	v20 =	vmov s26;
	v21 =	vshll.u32 v21, $0x7;
	v22 =	vadd.f32 v22, v23  }
0x1e5: {  	v28 =	vand.u32 $0x6000, v30;
	v23 =	vadd.f32 v26, v24;
	v24 =	vmul.f32 v27, v29  }
0x1e6: {  	v21 =	vand.u32 $0x380, v21;
	v22 =	vmul.f32 v22, v25;
	v27 =	vadd.s32 v9, v28  }
0x1e7: {  	v26 =	vadd.s32 v5, v28;
	v27 =	vor.u32 v21, v27;
	v23 =	vadd.f32 v23, v24  }
0x1e8: {  	s31 =	sand.u32 $0x3000, s24;
	s26 =	sadd.s32 $0xA800, s28;
	v24 =	vor.u32 v21, v26  }
0x1e9: {  	s28 =	sand.u32 $0x380, s24;
	s0 =	sadd.s32 s31, s26;
	v22 =	vadd.f32 v23, v22  }
0x1ea: {  	s0 =	sadd.s32 s28, s0;
	v25 =	vadd.s32 v12, v28  }
0x1eb: {  	v25 =	vor.u32 v21, v25;
	v23 =	vadd.s32 v19, v28;
	[tilespmem:v20+s0+$0x0 ss:$0x1] =	vst.idx.msk $0xffff, v22  }
0x1ec: {  	v21 =	vor.u32 v21, v23;
	v22 =	vld.idx.msk [tilespmem:v27+s4+$0x0], $0xffff  }
0x1ed: {  	v23 =	vld.idx.msk [tilespmem:v24+s4+$0x0], $0xffff;
	_ =	sdelay $0x2  }
0x1ee: {  	v24 =	vld.idx.msk [tilespmem:v25+s4+$0x0], $0xffff  }
0x1ef: {  	v25 =	vld.idx.msk [tilespmem:v21+s4+$0x0], $0xffff  }
0x1f0: {  	v26 =	vmul.f32 v22, v23;
	_ =	sdelay $0x1  }
0x1f1: {  	v28 =	vsub.f32 v22, v26  }
0x1f2: {  	v22 =	vsub.f32 $1.000000000e+00, v23;
	v23 =	vsub.f32 v23, v26;
	v30 =	vmul.f32 v26, v6  }
0x1f3: {  	v27 =	vsub.f32 $1.000000000e+00, v24;
	v21 =	vmul.f32 v25, v24;
	v52 =	vmul.f32 v28, v3  }
0x1f4: {  	v31 =	vsub.f32 v22, v28;
	v53 =	vmul.f32 v23, v7;
	v57 =	vmul.f32 v23, v11  }
0x1f5: {  	v58 =	vmul.f32 v28, v4;
	v22 =	vsub.f32 v25, v21;
	v25 =	vmul.f32 v23, v1  }
0x1f6: {  	s31 =	simm.s32 $0x2;
	v54 =	vsub.f32 v24, v21;
	v24 =	vmul.f32 v31, v0;
	v55 =	vmul.f32 v31, v2  }
0x1f7: {  	v29 =	vmov s31;
	v60 =	vmul.f32 v28, v15;
	v56 =	vmul.f32 v31, v8  }
0x1f8: {  	v23 =	vmul.f32 v23, v13;
	v24 =	vadd.f32 v24, v25;
	v25 =	vadd.f32 v55, v53  }
0x1f9: {  	v31 =	vmul.f32 v31, v10;
	v27 =	vsub.f32 v27, v22;
	v59 =	vadd.f32 v56, v57  }
0x1fa: {  	v61 =	vmul.f32 v26, v14;
	v24 =	vadd.f32 v24, v52;
	v25 =	vadd.f32 v25, v58  }
0x1fb: {  	v28 =	vmul.f32 v28, v16;
	v23 =	vadd.f32 v31, v23;
	v31 =	vadd.f32 v59, v60  }
0x1fc: {  	v62 =	vmul.f32 v26, v17;
	v30 =	vadd.f32 v24, v30;
	v32 =	vadd.f32 v25, v61  }
0x1fd: {  	v63 =	vshll.u32 v29, $0xA;
	v26 =	vmul.f32 v26, v18;
	v24 =	vadd.f32 v23, v28  }
0x1fe: {  	v25 =	vadd.f32 v31, v62;
	v27 =	vmul.f32 v30, v27;
	v28 =	vmul.f32 v32, v54  }
0x1ff: {  	s30 =	simm.s32 $0x3;
	s29 =	simm.s32 $0x0;
	s28 =	simm.s32 $0x0;
	v29 =	vshll.u32 v29, $0x7;
	v23 =	vand.u32 $0x6000, v63  }
.LBB2_15:
0x200: {  	p0 =	sne.s32 s30, $0x1F;
	v24 =	vadd.f32 v24, v26;
	v26 =	vadd.f32 v28, v27;
	v22 =	vmul.f32 v25, v22  }
0x201: {  	v25 =	vand.u32 $0x380, v29;
	v27 =	vadd.s32 v5, v23;
	v28 =	vadd.s32 v9, v23  }
0x202: {  	s29 =	sadd.s32 $0x200, s29;
	v28 =	vor.u32 v25, v28;
	v22 =	vadd.f32 v26, v22;
	v21 =	vmul.f32 v24, v21  }
0x203: {  	s28 =	sadd.s32 $0x80, s28;
	s0 =	sand.u32 $0x3000, s29;
	v24 =	vor.u32 v25, v27;
	v26 =	vadd.s32 v12, v23  }
0x204: {  	s31 =	sand.u32 $0x380, s28;
	s0 =	sadd.s32 s0, s26;
	v26 =	vor.u32 v25, v26;
	v21 =	vadd.f32 v22, v21  }
0x205: {  	s0 =	sadd.s32 s31, s0;
	v22 =	vadd.s32 v19, v23  }
0x206: {  	v22 =	vor.u32 v25, v22;
	[tilespmem:v20+s0+$0x0 ss:$0x1] =	vst.idx.msk $0xffff, v21  }
0x207: {  	v21 =	vld.idx.msk [tilespmem:v28+s4+$0x0], $0xffff  }
0x208: {  	v23 =	vld.idx.msk [tilespmem:v24+s4+$0x0], $0xffff  }
0x209: {  	v24 =	vld.idx.msk [tilespmem:v26+s4+$0x0], $0xffff;
	_ =	sdelay $0x1  }
0x20a: {  	v22 =	vld.idx.msk [tilespmem:v22+s4+$0x0], $0xffff;
	_ =	sdelay $0x2  }
0x20b: {  	v25 =	vmul.f32 v21, v23  }
0x20c: {  	v26 =	vsub.f32 $1.000000000e+00, v24  }
0x20d: {  	v29 =	vmov s30;
	v28 =	vsub.f32 $1.000000000e+00, v23;
	v27 =	vsub.f32 v21, v25  }
0x20e: {  	v23 =	vsub.f32 v23, v25;
	v30 =	vmul.f32 v25, v6;
	v21 =	vmul.f32 v22, v24  }
0x20f: {  	v28 =	vsub.f32 v28, v27;
	v31 =	vmul.f32 v27, v3;
	v32 =	vmul.f32 v27, v15  }
0x210: {  	v33 =	vmul.f32 v23, v1;
	v34 =	vmul.f32 v23, v7;
	v22 =	vsub.f32 v22, v21  }
0x211: {  	v35 =	vsub.f32 v24, v21;
	v24 =	vmul.f32 v28, v0;
	v36 =	vmul.f32 v28, v2  }
0x212: {  	v38 =	vmul.f32 v23, v11;
	v37 =	vsub.f32 v26, v22;
	v26 =	vmul.f32 v28, v8  }
0x213: {  	v24 =	vadd.f32 v24, v33;
	v33 =	vadd.f32 v36, v34;
	v34 =	vmul.f32 v27, v4  }
0x214: {  	v23 =	vmul.f32 v23, v13;
	v28 =	vmul.f32 v28, v10;
	v26 =	vadd.f32 v26, v38  }
0x215: {  	v24 =	vadd.f32 v24, v31;
	v31 =	vadd.f32 v33, v34;
	v33 =	vmul.f32 v25, v14  }
.Ltmp6:
0x216: {  	v23 =	vadd.f32 v28, v23;
	v32 =	vadd.f32 v26, v32;
	v26 =	vmul.f32 v27, v16;
	(pc) =	sbr.rel @p0 .LBB2_15-.Ltmp6, $4  }
0x217: {  	v27 =	vadd.f32 v24, v30;
	v28 =	vadd.f32 v31, v33;
	v30 =	vmul.f32 v25, v17  }
0x218: {  	v31 =	vshll.u32 v29, $0xA;
	v24 =	vadd.f32 v23, v26;
	v26 =	vmul.f32 v25, v18  }
0x219: {  	v25 =	vadd.f32 v32, v30;
	v27 =	vmul.f32 v27, v37;
	v28 =	vmul.f32 v28, v35  }
0x21a: {  	s30 =	sadd.s32 $0x1, s30;
	v29 =	vshll.u32 v29, $0x7;
	v23 =	vand.u32 $0x6000, v31  }
0x21b: {  	v24 =	vadd.f32 v24, v26;
	v45 =	vadd.f32 v28, v27;
	v22 =	vmul.f32 v25, v22  }
0x21c: {  	v46 =	vand.u32 $0x380, v29;
	v5 =	vadd.s32 v5, v23;
	v9 =	vadd.s32 v9, v23  }
0x21d: {  	s0 =	sadd.s32 $0x200, s29;
	v9 =	vor.u32 v46, v9;
	v22 =	vadd.f32 v45, v22;
	v21 =	vmul.f32 v24, v21  }
0x21e: {  	v12 =	vadd.s32 v12, v23;
	s28 =	sadd.s32 $0x80, s28;
	v5 =	vor.u32 v46, v5;
	s29 =	sand.u32 $0x3000, s0  }
0x21f: {  	v12 =	vor.u32 v46, v12;
	s30 =	sand.u32 $0x380, s28;
	s29 =	sadd.s32 s29, s26;
	v21 =	vadd.f32 v22, v21  }
0x220: {  	v19 =	vadd.s32 v19, v23;
	s29 =	sadd.s32 s30, s29  }
0x221: {  	v19 =	vor.u32 v46, v19;
	[tilespmem:v20+s29+$0x0 ss:$0x1] =	vst.idx.msk $0xffff, v21  }
0x222: {  	v9 =	vld.idx.msk [tilespmem:v9+s4+$0x0], $0xffff  }
0x223: {  	v5 =	vld.idx.msk [tilespmem:v5+s4+$0x0], $0xffff  }
0x224: {  	v12 =	vld.idx.msk [tilespmem:v12+s4+$0x0], $0xffff;
	_ =	sdelay $0x1  }
0x225: {  	v19 =	vld.idx.msk [tilespmem:v19+s4+$0x0], $0xffff;
	_ =	sdelay $0x1  }
0x226: {  	v47 =	vmul.f32 v9, v5  }
0x227: {  	v48 =	vsub.f32 $1.000000000e+00, v12  }
0x228: {  	v49 =	vsub.f32 $1.000000000e+00, v5;
	v9 =	vsub.f32 v9, v47  }
0x229: {  	v50 =	vmul.f32 v19, v12;
	v5 =	vsub.f32 v5, v47;
	v6 =	vmul.f32 v47, v6  }
0x22a: {  	v23 =	vsub.f32 v49, v9;
	v3 =	vmul.f32 v9, v3;
	v15 =	vmul.f32 v9, v15  }
0x22b: {  	v19 =	vsub.f32 v19, v50;
	v1 =	vmul.f32 v5, v1;
	v7 =	vmul.f32 v5, v7  }
0x22c: {  	v12 =	vsub.f32 v12, v50;
	v0 =	vmul.f32 v23, v0;
	v2 =	vmul.f32 v23, v2  }
0x22d: {  	v22 =	vsub.f32 v48, v19;
	v11 =	vmul.f32 v5, v11;
	v8 =	vmul.f32 v23, v8  }
0x22e: {  	v52 =	vmul.f32 v9, v4;
	v0 =	vadd.f32 v0, v1;
	v51 =	vadd.f32 v2, v7  }
0x22f: {  	v5 =	vmul.f32 v5, v13;
	v54 =	vmul.f32 v23, v10;
	v53 =	vadd.f32 v8, v11  }
0x230: {  	v55 =	vmul.f32 v47, v14;
	v0 =	vadd.f32 v0, v3;
	v1 =	vadd.f32 v51, v52  }
0x231: {  	v58 =	vmul.f32 v9, v16;
	v57 =	vadd.f32 v54, v5;
	v56 =	vadd.f32 v53, v15  }
0x232: {  	v59 =	vmul.f32 v47, v17;
	v0 =	vadd.f32 v0, v6;
	v1 =	vadd.f32 v1, v55  }
0x233: {  	v60 =	vmul.f32 v47, v18;
	v4 =	vadd.f32 v57, v58  }
0x234: {  	v2 =	vadd.f32 v56, v59;
	v0 =	vmul.f32 v0, v22;
	v1 =	vmul.f32 v1, v12;
	_ =	sdelay $0x1  }
0x235: {  	s25 =	sadd.s32 $0x1, s25;
	v61 =	vadd.f32 v4, v60;
	v62 =	vmul.f32 v2, v19;
	v0 =	vadd.f32 v1, v0  }
0x236: {  	p0 =	sne.s32 s25, $0x20  }
.Ltmp7:
0x237: {  	s0 =	sadd.s32 $0x200, s0;
	v63 =	vmul.f32 v61, v50;
	v0 =	vadd.f32 v0, v62;
	(pc) =	sbr.rel @p0 .LBB2_14-.Ltmp7, $4  }
0x238: {  	s28 =	sadd.s32 $0x80, s28;
	s0 =	sand.u32 $0x3000, s0  }
0x239: {  	s28 =	sand.u32 $0x380, s28;
	s0 =	sadd.s32 s0, s26;
	v0 =	vadd.f32 v0, v63  }
0x23a: {  	s0 =	sadd.s32 s28, s0  }
0x23b: {  	[tilespmem:v20+s0+$0x0 ss:$0x1] =	vst.idx.msk $0xffff, v0  }
0x23c: {  	s23 =	sadd.s32 $0x1, s23  }
0x23d: {  	p0 =	sne.s32 s23, s16  }
.Ltmp8:
0x23e: {  	_ = 	snop;
	(pc) =	sbr.rel @p0 .LBB2_1-.Ltmp8, $4  }
0x23f: {  	[hbm4b:s15+s19] =	stream.strided.scatter [tilespmem:s22], [sflag:$0x1], $0x4000, s20, s19, $0x38;
	[tilespmem:$0xE800] =	vst v63  }
0x240: {  	_ =	swait.ge [sflag:s17], $0x4000  }
0x241: {  	[sflag:s17] =	ssyncset.done $0x0  }
0x242: {  	[sflag:s17] =	ssyncadd.s32 $0xFFFFC000  }
0x243: {  	_ =	sfence.sel $0x180000  }
0x244: {  	[bflag:$0x0] =	sbarrier.arrive $0xFFFF  }
0x245: {  	_ =	strace $0x90000047  }
0x246: {  	[bflag:$0x2] =	sbarrier.arrive $0xFFFF  }
0x247: {  	p0 =	sne.s32 s2, $0x0;
	s0 =	rddreg [dreg:$0x4]  }
0x248: {  	s0 =	sadd.s32 @!p0 $0x100000, s0  }
0x249: {  	[sflag:s0] =	ssyncadd.tile.s32 @!p0 $0x1;
	_ =	shalt  }
.Lfunc_end2:
_tile_overlayer_lowered:
.L_overlay_start_2:
0x24a: {  	(tag) =	ssettag $0x2  }
0x24b: {  	s0 =	rddreg [dreg:$0x0];
	s2 =	stileid.u32  }
0x24c: {  	s1 =	rddreg [dreg:$0x1];
	p0 =	sne.s32 s2, $0x0  }
0x24d: {  	s3 =	rddreg [dreg:$0x2];
	[bflag:$0x3] =	sbarrier.arrive $0xFFFF;
	s2 =	simm.s32 @!p0 $0x1C01  }
0x24e: {  	[timem:s3], [sflag:s2] =	dma.local @!p0 [hbm:s0], s1  }
0x24f: {  	s0 =	simm.s32 @!p0 $0x1  }
0x250: {  	_ =	swait.ge @!p0 [sflag:s0], s1  }
0x251: {  	s1 =	ssub.s32 @!p0 $0x0, s1;
	[sflag:s0] =	ssyncset.done @!p0 $0x0  }
0x252: {  	[sflag:s0] =	ssyncadd.s32 @!p0 s1  }
0x253: {  	[bflag:$0x3] =	sbarrier.arrive $0xFFFF  }
0x254: {  	_ =	shalt  }

</sc_bundles>
